<compile_context>
chip_gen: v7x
topology: tpu7x:2x2x1
jax: 0.10.2.dev20260603
libtpu: 0.0.44.dev20260713+nightly
codegen_flags: <defaults>
</compile_context>

<pallas_src>
import functools
import math

import jax
import jax.numpy as jnp
from jax import lax
from jax.experimental import pallas as pl
from jax.experimental.pallas import tpu as pltpu
from jax.experimental.pallas import tpu_sc as plsc

NUM_CLASSES = 80
ANCHORS = [[1.3221, 1.73145], [3.19275, 4.00944], [5.05587, 8.09892],
           [9.47112, 4.84053], [11.2364, 10.0071]]
LAMBDA_OBJ = 10.0
LAMBDA_NOOBJ = 1.0
LAMBDA_COORD = 0.05
LAMBDA_CLASS = 1.0
IGNORE_THRESHOLD = 0.5

B, M, A, C, H, W = 128, 12, 5, 80, 26, 26
HW = H * W
CH = A * (5 + C)
NCELL = B * A * HW
OBJ_N = 85 * M * B
IGN_N = A * M * B
NW = 32
OBJ_PW = OBJ_N // NW
IGN_PW = IGN_N // NW


def _atan_pos(x):
    c = x > 2.414213562373095
    m = x > 0.4142135623730951
    t = jnp.where(c, -1.0 / x, jnp.where(m, (x - 1.0) / (x + 1.0), x))
    y0 = jnp.where(c, math.pi / 2, jnp.where(m, math.pi / 4, 0.0))
    z = t * t
    y = (((8.05374449538e-2 * z - 1.38776856032e-1) * z
          + 1.99777106478e-1) * z - 3.33329491539e-1) * z * t + t
    return y0 + y


def _bce(p, t):
    logp = jnp.maximum(jnp.log(jnp.maximum(p, 1e-43)), -100.0)
    log1mp = jnp.maximum(jnp.log(jnp.maximum(1.0 - p, 1e-43)), -100.0)
    return -(t * logp + (1.0 - t) * log1mp)


def _encode_body(tgt_ref, io_ref, ii_ref, lw_ref, cc_ref, cid_ref, tbox_ref,
                 icnt_ref):
    tgt = tgt_ref[...]
    cx = tgt[0]
    cy = tgt[1]
    w = tgt[2]
    h = tgt[3]
    cid = tgt[4]
    valid = (cx + cy + w + h + cid) > 0.0
    gx = cx * float(W)
    gy = cy * float(H)
    gw = w * float(W)
    gh = h * float(H)
    gi = gx.astype(jnp.int32)
    gj = gy.astype(jnp.int32)
    pos = gj * W + gi
    ious = []
    for a in range(A):
        aw, ah = ANCHORS[a]
        inter = jnp.minimum(gw, aw) * jnp.minimum(gh, ah)
        union = gw * gh + aw * ah - inter + 1e-7
        ious.append(inter / union)
    best = jnp.zeros(cx.shape, jnp.int32)
    bestv = ious[0]
    for a in range(1, A):
        cnd = ious[a] > bestv
        best = jnp.where(cnd, jnp.int32(a), best)
        bestv = jnp.maximum(bestv, ious[a])
    aw_b = jnp.zeros_like(gw)
    ah_b = jnp.zeros_like(gh)
    for a in range(A):
        sel = (best == a).astype(jnp.float32)
        aw_b = aw_b + sel * ANCHORS[a][0]
        ah_b = ah_b + sel * ANCHORS[a][1]
    tx = gx - gi.astype(jnp.float32)
    ty = gy - gj.astype(jnp.float32)
    tw = gw / aw_b
    th = gh / ah_b

    ti = lax.broadcasted_iota(jnp.int32, (M, M, 1), 0)
    tj = lax.broadcasted_iota(jnp.int32, (M, M, 1), 1)
    later = tj > ti
    earlier = tj < ti
    key = best * jnp.int32(HW) + pos
    keq = (key[:, None, :] == key[None, :, :]) & valid[None, :, :]
    lw = valid & jnp.logical_not(jnp.any(keq & later, axis=1))
    ceq = keq & (cid[:, None, :] == cid[None, :, :])
    cc = valid & jnp.logical_not(jnp.any(ceq & later, axis=1))
    poseq = pos[:, None, :] == pos[None, :, :]
    ep = earlier & poseq
    icnt_rows = []
    for a in range(A):
        ignf_a = valid & (ious[a] > IGNORE_THRESHOLD)
        conflict = jnp.any(ep & ignf_a[None, :, :], axis=1)
        icnt_rows.append(
            (ignf_a & jnp.logical_not(conflict)).astype(jnp.float32))
    icnt = jnp.stack(icnt_rows, axis=0)

    bi = lax.broadcasted_iota(jnp.int32, (M, B), 1)
    base_obj = bi * jnp.int32(CH * HW) + best * jnp.int32(85 * HW) + pos
    ci = lax.broadcasted_iota(jnp.int32, (85, M, B), 0)
    io_ref[...] = base_obj[None] + jnp.int32(HW) * ci
    ai = lax.broadcasted_iota(jnp.int32, (A, M, B), 0)
    ii_ref[...] = (bi[None] * jnp.int32(CH * HW)
                   + (jnp.int32(85) * ai + 4) * jnp.int32(HW) + pos[None])
    lw_ref[...] = lw.astype(jnp.float32)
    cc_ref[...] = cc.astype(jnp.float32)
    cid_ref[...] = cid
    tbox_ref[...] = jnp.stack([tx, ty, tw, th], axis=0)
    icnt_ref[...] = icnt


def _encode(tgt):
    f32 = jnp.float32
    return pl.pallas_call(
        _encode_body,
        out_shape=[
            jax.ShapeDtypeStruct((85, M, B), jnp.int32),
            jax.ShapeDtypeStruct((A, M, B), jnp.int32),
            jax.ShapeDtypeStruct((M, B), f32),
            jax.ShapeDtypeStruct((M, B), f32),
            jax.ShapeDtypeStruct((M, B), f32),
            jax.ShapeDtypeStruct((4, M, B), f32),
            jax.ShapeDtypeStruct((A, M, B), f32),
        ],
    )(tgt)


def _sc_gather(flat, idx_obj, idx_ign):
    mesh = plsc.VectorSubcoreMesh(core_axis_name="c", subcore_axis_name="s")

    @functools.partial(
        pl.kernel,
        mesh=mesh,
        out_type=[
            jax.ShapeDtypeStruct((OBJ_N,), jnp.float32),
            jax.ShapeDtypeStruct((IGN_N,), jnp.float32),
        ],
        scratch_types=[
            pltpu.VMEM((OBJ_PW,), jnp.int32),
            pltpu.VMEM((OBJ_PW,), jnp.float32),
            pltpu.VMEM((IGN_PW,), jnp.int32),
            pltpu.VMEM((IGN_PW,), jnp.float32),
            pltpu.SemaphoreType.DMA,
        ],
    )
    def k(flat_hbm, io_hbm, ii_hbm, out_obj, out_ign, io_v, vo_v, ii_v, vi_v,
          sem):
        wid = lax.axis_index("s") * 2 + lax.axis_index("c")
        ob = wid * OBJ_PW
        ib = wid * IGN_PW
        pltpu.sync_copy(io_hbm.at[pl.ds(ob, OBJ_PW)], io_v)
        pltpu.async_copy(flat_hbm.at[io_v], vo_v, sem).wait()
        pltpu.sync_copy(vo_v, out_obj.at[pl.ds(ob, OBJ_PW)])
        pltpu.sync_copy(ii_hbm.at[pl.ds(ib, IGN_PW)], ii_v)
        pltpu.async_copy(flat_hbm.at[ii_v], vi_v, sem).wait()
        pltpu.sync_copy(vi_v, out_ign.at[pl.ds(ib, IGN_PW)])

    return k(flat, idx_obj, idx_ign)


def _loss_body(conf_ref, vo_ref, vi_ref, lw_ref, cc_ref, cid_ref, tbox_ref,
               icnt_ref, out_ref, acc_ref):
    step = pl.program_id(0)

    @pl.when(step == 0)
    def _init():
        acc_ref[0, 0] = 0.0

    p = jax.nn.sigmoid(conf_ref[...])
    acc_ref[0, 0] += jnp.sum(_bce(p, jnp.zeros_like(p)))

    @pl.when(step == A - 1)
    def _finish():
        vo = vo_ref[...]
        lwf = lw_ref[...]
        ccf = cc_ref[...]
        cid = cid_ref[...]
        tbox = tbox_ref[...]
        icf = icnt_ref[...]

        pconf = jax.nn.sigmoid(vo[4])
        pcls = jax.nn.sigmoid(vo[5:])

        eps = 1e-7
        b1x = jax.nn.sigmoid(vo[0])
        b1y = jax.nn.sigmoid(vo[1])
        b1w = jnp.exp(vo[2])
        b1h = jnp.exp(vo[3])
        b2x, b2y, b2w, b2h = tbox[0], tbox[1], tbox[2], tbox[3]
        b1x1, b1x2 = b1x - b1w * 0.5, b1x + b1w * 0.5
        b1y1, b1y2 = b1y - b1h * 0.5, b1y + b1h * 0.5
        b2x1, b2x2 = b2x - b2w * 0.5, b2x + b2w * 0.5
        b2y1, b2y2 = b2y - b2h * 0.5, b2y + b2h * 0.5
        iw = jnp.clip(jnp.minimum(b1x2, b2x2) - jnp.maximum(b1x1, b2x1), 0.0)
        ih = jnp.clip(jnp.minimum(b1y2, b2y2) - jnp.maximum(b1y1, b2y1), 0.0)
        inter = iw * ih
        w1, h1 = b1x2 - b1x1, b1y2 - b1y1 + eps
        w2, h2 = b2x2 - b2x1, b2y2 - b2y1 + eps
        union = w1 * h1 + w2 * h2 - inter + eps
        iou = inter / union
        cw = jnp.maximum(b1x2, b2x2) - jnp.minimum(b1x1, b2x1)
        chh = jnp.maximum(b1y2, b2y2) - jnp.minimum(b1y1, b2y1)
        c2 = cw * cw + chh * chh + eps
        rho2 = ((b2x1 + b2x2 - b1x1 - b1x2) ** 2
                + (b2y1 + b2y2 - b1y1 - b1y2) ** 2) / 4.0
        v = (4.0 / math.pi ** 2) * (_atan_pos(w2 / h2)
                                    - _atan_pos(w1 / h1)) ** 2
        alpha = v / (v - iou + (1.0 + eps))
        ciou = iou - (rho2 / c2 + v * alpha)

        posm = (lwf > 0.0) & (ciou > 0.0)
        n_pos = jnp.maximum(jnp.sum(posm.astype(jnp.float32)), 1.0)
        box_loss = LAMBDA_COORD * jnp.sum(
            jnp.where(posm, 1.0 - ciou, 0.0)) / n_pos

        obj_sum = jnp.sum(lwf * _bce(pconf, jnp.ones_like(pconf)))
        object_loss = LAMBDA_OBJ * obj_sum / float(NCELL)

        pin = jax.nn.sigmoid(vi_ref[...])
        ign_sum = jnp.sum(icf * _bce(pin, jnp.zeros_like(pin)))
        no_object_loss = LAMBDA_NOOBJ * (acc_ref[0, 0] - ign_sum) / float(NCELL)

        cls_base = jnp.sum(lwf[None] * _bce(pcls, jnp.zeros_like(pcls)))
        onehot = (lax.broadcasted_iota(jnp.int32, (C, M, B), 0)
                  == cid[None].astype(jnp.int32)).astype(jnp.float32)
        dcorr = _bce(pcls, jnp.ones_like(pcls)) - _bce(pcls,
                                                       jnp.zeros_like(pcls))
        cls_corr = jnp.sum(ccf * jnp.sum(onehot * dcorr, axis=0))
        n_sel = jnp.maximum(jnp.sum(lwf) * float(C), 1.0)
        class_loss = LAMBDA_CLASS * (cls_base + cls_corr) / n_sel

        out_ref[0, 0] = (box_loss + object_loss + no_object_loss
                         + class_loss) * float(B)


def _loss(inp4, vo, vi, lw, cc, cid, tbox, icnt):
    whole = lambda shape: pl.BlockSpec(shape, lambda a: (0,) * len(shape))
    return pl.pallas_call(
        _loss_body,
        grid=(A,),
        in_specs=[
            pl.BlockSpec((B, 1, 1, HW), lambda a: (0, 85 * a + 4, 0, 0)),
            whole((85, M, B)),
            whole((A, M, B)),
            whole((M, B)),
            whole((M, B)),
            whole((M, B)),
            whole((4, M, B)),
            whole((A, M, B)),
        ],
        out_specs=pl.BlockSpec(memory_space=pltpu.SMEM),
        out_shape=jax.ShapeDtypeStruct((1, 1), jnp.float32),
        scratch_shapes=[pltpu.SMEM((1, 1), jnp.float32)],
    )(inp4, vo, vi, lw, cc, cid, tbox, icnt)


def kernel(input, target):
    input = jnp.asarray(input, jnp.float32)
    target = jnp.asarray(target, jnp.float32)
    tgt = jnp.transpose(target[:, :M, :], (2, 1, 0))
    io, ii, lw, cc, cid, tbox, icnt = _encode(tgt)
    vo, vi = _sc_gather(input.reshape(-1), io.reshape(-1), ii.reshape(-1))
    out = _loss(input.reshape(B, CH, 1, HW), vo.reshape(85, M, B),
                vi.reshape(A, M, B), lw, cc, cid, tbox, icnt)
    return out.reshape(())

# --- scband reference (transcript-rebuilt; emitter-appended) ---
"""Pipeline reference for scband-yolo-v2-loss-v2-26749056320393 (READ-ONLY COPY).

The authoritative reference and input builder live on the scoring server;
editing this copy changes nothing except your own understanding.
"""

import jax, jax.numpy as jnp
import numpy as np
import math

NUM_CLASSES = 80
SCALED_ANCHORS = [[1.3221, 1.73145], [3.19275, 4.00944], [5.05587, 8.09892], [9.47112, 4.84053], [11.2364, 10.0071]]
LAMBDA_OBJ = 10.0
LAMBDA_NOOBJ = 1.0
LAMBDA_COORD = 0.05
LAMBDA_CLASS = 1.0
IGNORE_THRESHOLD = 0.5


def setup_inputs(seed: int = 0) -> dict:
    key = jax.random.key(seed)
    k1, k2, k3, k4 = jax.random.split(key, 4)
    B, M, A, C, H, W = 128, 20, 5, NUM_CLASSES, 26, 26
    x = jax.random.normal(k1, (B, A * (5 + C), H, W), dtype=jnp.float32) * 0.5
    cxy = jax.random.uniform(k2, (B, M, 2), minval=0.02, maxval=0.98, dtype=jnp.float32)
    wh = jax.random.uniform(k3, (B, M, 2), minval=0.05, maxval=0.5, dtype=jnp.float32)
    cid = jax.random.randint(k4, (B, M, 1), 0, C).astype(jnp.float32)
    target = jnp.concatenate([cxy, wh, cid], axis=-1)
    valid = (jnp.arange(M) < 12).astype(jnp.float32)[None, :, None]
    target = target * valid
    return {"input": x, "target": target}


def _bce_elem(p, t):
    logp = jnp.maximum(jnp.log(jnp.maximum(p, 1e-43)), -100.0)
    log1mp = jnp.maximum(jnp.log(jnp.maximum(1.0 - p, 1e-43)), -100.0)
    return -(t * logp + (1.0 - t) * log1mp)


def bbox_iou_ciou(box1, box2, eps=1e-7):
    # boxes in (cx, cy, w, h) format (x1y1x2y2=False path of the original bbox_iou)
    b1_x1 = box1[..., 0] - box1[..., 2] / 2.0
    b1_x2 = box1[..., 0] + box1[..., 2] / 2.0
    b1_y1 = box1[..., 1] - box1[..., 3] / 2.0
    b1_y2 = box1[..., 1] + box1[..., 3] / 2.0
    b2_x1 = box2[..., 0] - box2[..., 2] / 2.0
    b2_x2 = box2[..., 0] + box2[..., 2] / 2.0
    b2_y1 = box2[..., 1] - box2[..., 3] / 2.0
    b2_y2 = box2[..., 1] + box2[..., 3] / 2.0
    inter_w = jnp.clip(jnp.minimum(b1_x2, b2_x2) - jnp.maximum(b1_x1, b2_x1), 0.0, None)
    inter_h = jnp.clip(jnp.minimum(b1_y2, b2_y2) - jnp.maximum(b1_y1, b2_y1), 0.0, None)
    inter = inter_w * inter_h
    w1 = b1_x2 - b1_x1
    h1 = b1_y2 - b1_y1 + eps
    w2 = b2_x2 - b2_x1
    h2 = b2_y2 - b2_y1 + eps
    union = w1 * h1 + w2 * h2 - inter + eps
    iou = inter / union
    cw = jnp.maximum(b1_x2, b2_x2) - jnp.minimum(b1_x1, b2_x1)
    ch = jnp.maximum(b1_y2, b2_y2) - jnp.minimum(b1_y1, b2_y1)
    c2 = cw ** 2 + ch ** 2 + eps
    rho2 = ((b2_x1 + b2_x2 - b1_x1 - b1_x2) ** 2 + (b2_y1 + b2_y2 - b1_y1 - b1_y2) ** 2) / 4.0
    v = (4.0 / math.pi ** 2) * (jnp.arctan(w2 / h2) - jnp.arctan(w1 / h1)) ** 2
    alpha = jax.lax.stop_gradient(v / (v - iou + (1.0 + eps)))
    return iou - (rho2 / c2 + v * alpha)


def encode_target_np(target, num_classes, scaled_anchors, layer_w, layer_h, ignore_threshold):
    target = jnp.asarray(target, dtype=jnp.float32)
    B, M, _ = target.shape
    anchors = jnp.asarray(scaled_anchors, dtype=jnp.float32)
    A = anchors.shape[0]
    mask = jnp.zeros((B, A, layer_h, layer_w, 1), jnp.float32)
    noobj_mask = jnp.ones((B, A, layer_h, layer_w, 1), jnp.float32)
    tbox = jnp.zeros((B, A, layer_h, layer_w, 4), jnp.float32)
    tconf = jnp.zeros((B, A, layer_h, layer_w, 1), jnp.float32)
    tcls = jnp.zeros((B, A, layer_h, layer_w, num_classes), jnp.float32)
    eps = 1e-7

    def body(i, carry):
        mask, noobj_mask, tbox, tconf, tcls = carry
        b = i // M
        t = i % M
        row = target[b, t]
        valid = row.sum() > 0
        gx = row[0] * layer_w
        gy = row[1] * layer_h
        gw = row[2] * layer_w
        gh = row[3] * layer_h
        gi = gx.astype(jnp.int32)
        gj = gy.astype(jnp.int32)
        inter = jnp.minimum(gw, anchors[:, 0]) * jnp.minimum(gh, anchors[:, 1])
        union = gw * gh + anchors[:, 0] * anchors[:, 1] - inter + eps
        calc_iou = inter / union
        cur_noobj = noobj_mask[b, :, gj, gi, 0]
        noobj_mask = noobj_mask.at[b, :, gj, gi, 0].set(
            jnp.where(valid & (calc_iou > ignore_threshold), 0.0, cur_noobj))
        best_n = jnp.argmax(calc_iou)
        mask = mask.at[b, best_n, gj, gi, 0].set(
            jnp.where(valid, 1.0, mask[b, best_n, gj, gi, 0]))
        new_box = jnp.stack([gx - gi.astype(jnp.float32),
                             gy - gj.astype(jnp.float32),
                             gw / anchors[best_n, 0],
                             gh / anchors[best_n, 1]])
        tbox = tbox.at[b, best_n, gj, gi].set(
            jnp.where(valid, new_box, tbox[b, best_n, gj, gi]))
        tconf = tconf.at[b, best_n, gj, gi, 0].set(
            jnp.where(valid, 1.0, tconf[b, best_n, gj, gi, 0]))
        cls_idx = row[4].astype(jnp.int32)
        tcls = tcls.at[b, best_n, gj, gi, cls_idx].set(
            jnp.where(valid, 1.0, tcls[b, best_n, gj, gi, cls_idx]))
        return (mask, noobj_mask, tbox, tconf, tcls)

    mask, noobj_mask, tbox, tconf, tcls = jax.lax.fori_loop(
        0, B * M, body, (mask, noobj_mask, tbox, tconf, tcls))
    return (mask, noobj_mask, tbox, tconf, tcls)


def _loss_from_pred(input, enc):
    mask, noobj_mask, tbox, tconf, tcls = enc
    B, _, H, W = input.shape
    A = len(SCALED_ANCHORS)
    prediction = input.reshape(B, A, -1, H, W).transpose(0, 1, 3, 4, 2)
    pxy = jax.nn.sigmoid(prediction[..., 0:2])
    pwh = jnp.exp(prediction[..., 2:4])
    pbox = jnp.concatenate([pxy, pwh], axis=-1)
    pconf = jax.nn.sigmoid(prediction[..., 4:5])
    pcls = jax.nn.sigmoid(prediction[..., 5:])
    box_iou = bbox_iou_ciou(pbox * mask, tbox * mask)
    pos = box_iou > 0
    n_pos = jnp.maximum(jnp.sum(pos), 1).astype(jnp.float32)
    box_loss = LAMBDA_COORD * (jnp.sum(jnp.where(pos, 1.0 - box_iou, 0.0)) / n_pos)
    object_loss = LAMBDA_OBJ * jnp.mean(_bce_elem(pconf * mask, tconf))
    no_object_loss = LAMBDA_NOOBJ * jnp.mean(_bce_elem(pconf * noobj_mask, jnp.zeros_like(pconf)))
    sel = (mask[..., 0] == 1)
    n_sel = jnp.maximum(jnp.sum(sel) * NUM_CLASSES, 1).astype(jnp.float32)
    class_loss = LAMBDA_CLASS * (jnp.sum(_bce_elem(pcls, tcls) * sel[..., None].astype(jnp.float32)) / n_sel)
    return (box_loss + object_loss + no_object_loss + class_loss) * B


def reference(input, target):
    input = jnp.asarray(input)
    enc = encode_target_np(jnp.asarray(target), NUM_CLASSES, SCALED_ANCHORS, int(input.shape[3]), int(input.shape[2]), IGNORE_THRESHOLD)
    return _loss_from_pred(input, enc)

if __name__ == "__main__":
    import jax
    _d = setup_inputs()
    print(jax.jit(kernel)(*tuple(_d.values())))

</pallas_src>

<mosaic_0001>
#map = affine_map<(d0, d1) -> (0)>
module attributes {stable_mosaic.version = 14 : i64} {
  func.func @k(%arg0: i32, %arg1: i32, %arg2: memref<36774400xf32, #tpu.memory_space<hbm>>, %arg3: memref<130560xi32, #tpu.memory_space<hbm>>, %arg4: memref<7680xi32, #tpu.memory_space<hbm>>, %arg5: memref<130560xf32, #tpu.memory_space<hbm>>, %arg6: memref<7680xf32, #tpu.memory_space<hbm>>, %arg7: memref<4080xi32, #tpu.memory_space<vmem>>, %arg8: memref<4080xf32, #tpu.memory_space<vmem>>, %arg9: memref<240xi32, #tpu.memory_space<vmem>>, %arg10: memref<240xf32, #tpu.memory_space<vmem>>, %arg11: memref<!tpu.dma_semaphore, #tpu.memory_space<semaphore_mem>>) attributes {dimension_semantics = [#tpu.dimension_semantics<core_parallel>, #tpu.dimension_semantics<subcore_parallel>], iteration_bounds = array<i64: 2, 16>, scalar_prefetch = 0 : i64, scratch_operands = 5 : i64, tpu.core_type = #tpu.core_type<sc_vector_subcore>, window_params = [{transform_indices = #map}, {transform_indices = #map}, {transform_indices = #map}, {transform_indices = #map}, {transform_indices = #map}]} {
    %mul3A = arith.constant 2 : i32
    %mul3A_0 = arith.muli %arg1, %mul3A : i32
    %add3A = arith.addi %mul3A_0, %arg0 : i32
    %mul3A_1 = arith.constant 4080 : i32
    %mul3A_2 = arith.muli %add3A, %mul3A_1 : i32
    %mul3A_3 = arith.constant 240 : i32
    %mul3A_4 = arith.muli %add3A, %mul3A_3 : i32
    "tpu.region"() ({
      %run_scoped3A = tpu.sem_alloc : memref<!tpu.dma_semaphore, #tpu.memory_space<semaphore_mem>>
      %dma_start3A_11 = tpu.memref_slice %arg3[%mul3A_2] : memref<130560xi32, #tpu.memory_space<hbm>> -> memref<4080xi32, #tpu.memory_space<hbm>>
      %dma_start3A_12 = tpu.memref_slice %arg3[%mul3A_2] : memref<130560xi32, #tpu.memory_space<hbm>> -> memref<4080xi32, #tpu.memory_space<hbm>>
      tpu.enqueue_dma source(%dma_start3A_12 : memref<4080xi32, #tpu.memory_space<hbm>>) target(%arg7 : memref<4080xi32, #tpu.memory_space<vmem>>) target_semaphore(%run_scoped3A : memref<!tpu.dma_semaphore, #tpu.memory_space<semaphore_mem>>)
      %dma_wait3A_13 = tpu.memref_slice %arg3[%mul3A_2] : memref<130560xi32, #tpu.memory_space<hbm>> -> memref<4080xi32, #tpu.memory_space<hbm>>
      %dma_wait3A_14 = tpu.memref_slice %arg3[%mul3A_2] : memref<130560xi32, #tpu.memory_space<hbm>> -> memref<4080xi32, #tpu.memory_space<hbm>>
      tpu.wait_dma2 semaphore(%run_scoped3A : memref<!tpu.dma_semaphore, #tpu.memory_space<semaphore_mem>>) src(%dma_wait3A_14 : memref<4080xi32, #tpu.memory_space<hbm>>) dst(%arg7 : memref<4080xi32, #tpu.memory_space<vmem>>)
      tpu.yield
    }) : () -> ()
    %dma_start3A = arith.constant 0 : i32
    %dma_start3A_5 = tpu.memref_slice %arg2[%dma_start3A] : memref<36774400xf32, #tpu.memory_space<hbm>> -> memref<36774400xf32, #tpu.memory_space<hbm>>
    tpu.enqueue_indirect_dma source(%dma_start3A_5 : memref<36774400xf32, #tpu.memory_space<hbm>>) target(%arg8 : memref<4080xf32, #tpu.memory_space<vmem>>) offsets(%arg7 : memref<4080xi32, #tpu.memory_space<vmem>>) semaphore(%arg11 : memref<!tpu.dma_semaphore, #tpu.memory_space<semaphore_mem>>)
    %dma_wait3A = arith.constant 0 : i32
    %dma_wait3A_6 = tpu.memref_slice %arg2[%dma_wait3A] : memref<36774400xf32, #tpu.memory_space<hbm>> -> memref<36774400xf32, #tpu.memory_space<hbm>>
    tpu.wait_indirect_dma semaphore(%arg11 : memref<!tpu.dma_semaphore, #tpu.memory_space<semaphore_mem>>) src(%dma_wait3A_6 : memref<36774400xf32, #tpu.memory_space<hbm>>) dst(%arg8 : memref<4080xf32, #tpu.memory_space<vmem>>)
    "tpu.region"() ({
      %run_scoped3A = tpu.sem_alloc : memref<!tpu.dma_semaphore, #tpu.memory_space<semaphore_mem>>
      %dma_start3A_11 = tpu.memref_slice %arg5[%mul3A_2] : memref<130560xf32, #tpu.memory_space<hbm>> -> memref<4080xf32, #tpu.memory_space<hbm>>
      %dma_start3A_12 = tpu.memref_slice %arg5[%mul3A_2] : memref<130560xf32, #tpu.memory_space<hbm>> -> memref<4080xf32, #tpu.memory_space<hbm>>
      tpu.enqueue_dma source(%arg8 : memref<4080xf32, #tpu.memory_space<vmem>>) target(%dma_start3A_12 : memref<4080xf32, #tpu.memory_space<hbm>>) target_semaphore(%run_scoped3A : memref<!tpu.dma_semaphore, #tpu.memory_space<semaphore_mem>>)
      %dma_wait3A_13 = tpu.memref_slice %arg5[%mul3A_2] : memref<130560xf32, #tpu.memory_space<hbm>> -> memref<4080xf32, #tpu.memory_space<hbm>>
      %dma_wait3A_14 = tpu.memref_slice %arg5[%mul3A_2] : memref<130560xf32, #tpu.memory_space<hbm>> -> memref<4080xf32, #tpu.memory_space<hbm>>
      tpu.wait_dma2 semaphore(%run_scoped3A : memref<!tpu.dma_semaphore, #tpu.memory_space<semaphore_mem>>) src(%arg8 : memref<4080xf32, #tpu.memory_space<vmem>>) dst(%dma_wait3A_14 : memref<4080xf32, #tpu.memory_space<hbm>>)
      tpu.yield
    }) : () -> ()
    "tpu.region"() ({
      %run_scoped3A = tpu.sem_alloc : memref<!tpu.dma_semaphore, #tpu.memory_space<semaphore_mem>>
      %dma_start3A_11 = tpu.memref_slice %arg4[%mul3A_4] : memref<7680xi32, #tpu.memory_space<hbm>> -> memref<240xi32, #tpu.memory_space<hbm>>
      %dma_start3A_12 = tpu.memref_slice %arg4[%mul3A_4] : memref<7680xi32, #tpu.memory_space<hbm>> -> memref<240xi32, #tpu.memory_space<hbm>>
      tpu.enqueue_dma source(%dma_start3A_12 : memref<240xi32, #tpu.memory_space<hbm>>) target(%arg9 : memref<240xi32, #tpu.memory_space<vmem>>) target_semaphore(%run_scoped3A : memref<!tpu.dma_semaphore, #tpu.memory_space<semaphore_mem>>)
      %dma_wait3A_13 = tpu.memref_slice %arg4[%mul3A_4] : memref<7680xi32, #tpu.memory_space<hbm>> -> memref<240xi32, #tpu.memory_space<hbm>>
      %dma_wait3A_14 = tpu.memref_slice %arg4[%mul3A_4] : memref<7680xi32, #tpu.memory_space<hbm>> -> memref<240xi32, #tpu.memory_space<hbm>>
      tpu.wait_dma2 semaphore(%run_scoped3A : memref<!tpu.dma_semaphore, #tpu.memory_space<semaphore_mem>>) src(%dma_wait3A_14 : memref<240xi32, #tpu.memory_space<hbm>>) dst(%arg9 : memref<240xi32, #tpu.memory_space<vmem>>)
      tpu.yield
    }) : () -> ()
    %dma_start3A_7 = arith.constant 0 : i32
    %dma_start3A_8 = tpu.memref_slice %arg2[%dma_start3A_7] : memref<36774400xf32, #tpu.memory_space<hbm>> -> memref<36774400xf32, #tpu.memory_space<hbm>>
    tpu.enqueue_indirect_dma source(%dma_start3A_8 : memref<36774400xf32, #tpu.memory_space<hbm>>) target(%arg10 : memref<240xf32, #tpu.memory_space<vmem>>) offsets(%arg9 : memref<240xi32, #tpu.memory_space<vmem>>) semaphore(%arg11 : memref<!tpu.dma_semaphore, #tpu.memory_space<semaphore_mem>>)
    %dma_wait3A_9 = arith.constant 0 : i32
    %dma_wait3A_10 = tpu.memref_slice %arg2[%dma_wait3A_9] : memref<36774400xf32, #tpu.memory_space<hbm>> -> memref<36774400xf32, #tpu.memory_space<hbm>>
    tpu.wait_indirect_dma semaphore(%arg11 : memref<!tpu.dma_semaphore, #tpu.memory_space<semaphore_mem>>) src(%dma_wait3A_10 : memref<36774400xf32, #tpu.memory_space<hbm>>) dst(%arg10 : memref<240xf32, #tpu.memory_space<vmem>>)
    "tpu.region"() ({
      %run_scoped3A = tpu.sem_alloc : memref<!tpu.dma_semaphore, #tpu.memory_space<semaphore_mem>>
      %dma_start3A_11 = tpu.memref_slice %arg6[%mul3A_4] : memref<7680xf32, #tpu.memory_space<hbm>> -> memref<240xf32, #tpu.memory_space<hbm>>
      %dma_start3A_12 = tpu.memref_slice %arg6[%mul3A_4] : memref<7680xf32, #tpu.memory_space<hbm>> -> memref<240xf32, #tpu.memory_space<hbm>>
      tpu.enqueue_dma source(%arg10 : memref<240xf32, #tpu.memory_space<vmem>>) target(%dma_start3A_12 : memref<240xf32, #tpu.memory_space<hbm>>) target_semaphore(%run_scoped3A : memref<!tpu.dma_semaphore, #tpu.memory_space<semaphore_mem>>)
      %dma_wait3A_13 = tpu.memref_slice %arg6[%mul3A_4] : memref<7680xf32, #tpu.memory_space<hbm>> -> memref<240xf32, #tpu.memory_space<hbm>>
      %dma_wait3A_14 = tpu.memref_slice %arg6[%mul3A_4] : memref<7680xf32, #tpu.memory_space<hbm>> -> memref<240xf32, #tpu.memory_space<hbm>>
      tpu.wait_dma2 semaphore(%run_scoped3A : memref<!tpu.dma_semaphore, #tpu.memory_space<semaphore_mem>>) src(%arg10 : memref<240xf32, #tpu.memory_space<vmem>>) dst(%dma_wait3A_14 : memref<240xf32, #tpu.memory_space<hbm>>)
      tpu.yield
    }) : () -> ()
    return
  }
}

module attributes {stable_mosaic.version = 14 : i64} {
  func.func @_encode_body(%arg0: memref<5x12x128xf32, #tpu.memory_space<vmem>>, %arg1: memref<85x12x128xi32, #tpu.memory_space<vmem>>, %arg2: memref<5x12x128xi32, #tpu.memory_space<vmem>>, %arg3: memref<12x128xf32, #tpu.memory_space<vmem>>, %arg4: memref<12x128xf32, #tpu.memory_space<vmem>>, %arg5: memref<12x128xf32, #tpu.memory_space<vmem>>, %arg6: memref<4x12x128xf32, #tpu.memory_space<vmem>>, %arg7: memref<5x12x128xf32, #tpu.memory_space<vmem>>) attributes {dimension_semantics = [], scalar_prefetch = 0 : i64, scratch_operands = 0 : i64, tpu.core_type = #tpu.core_type<tc>} {
    %get3A = arith.constant 0 : index
    %get3A_0 = arith.constant 0 : index
    %get3A_1 = arith.constant 0 : index
    %get3A_2 = vector.load %arg0[%get3A, %get3A_0, %get3A_1] : memref<5x12x128xf32, #tpu.memory_space<vmem>>, vector<5x12x128xf32>
    %slice3A = vector.extract_strided_slice %get3A_2 {offsets = [0, 0, 0], sizes = [1, 12, 128], strides = [1, 1, 1]} : vector<5x12x128xf32> to vector<1x12x128xf32>
    %squeeze3A = vector.shape_cast %slice3A : vector<1x12x128xf32> to vector<12x128xf32>
    %slice3A_3 = vector.extract_strided_slice %get3A_2 {offsets = [1, 0, 0], sizes = [1, 12, 128], strides = [1, 1, 1]} : vector<5x12x128xf32> to vector<1x12x128xf32>
    %squeeze3A_4 = vector.shape_cast %slice3A_3 : vector<1x12x128xf32> to vector<12x128xf32>
    %slice3A_5 = vector.extract_strided_slice %get3A_2 {offsets = [2, 0, 0], sizes = [1, 12, 128], strides = [1, 1, 1]} : vector<5x12x128xf32> to vector<1x12x128xf32>
    %squeeze3A_6 = vector.shape_cast %slice3A_5 : vector<1x12x128xf32> to vector<12x128xf32>
    %slice3A_7 = vector.extract_strided_slice %get3A_2 {offsets = [3, 0, 0], sizes = [1, 12, 128], strides = [1, 1, 1]} : vector<5x12x128xf32> to vector<1x12x128xf32>
    %squeeze3A_8 = vector.shape_cast %slice3A_7 : vector<1x12x128xf32> to vector<12x128xf32>
    %slice3A_9 = vector.extract_strided_slice %get3A_2 {offsets = [4, 0, 0], sizes = [1, 12, 128], strides = [1, 1, 1]} : vector<5x12x128xf32> to vector<1x12x128xf32>
    %squeeze3A_10 = vector.shape_cast %slice3A_9 : vector<1x12x128xf32> to vector<12x128xf32>
    %add3A = arith.addf %squeeze3A, %squeeze3A_4 : vector<12x128xf32>
    %add3A_11 = arith.addf %add3A, %squeeze3A_6 : vector<12x128xf32>
    %add3A_12 = arith.addf %add3A_11, %squeeze3A_8 : vector<12x128xf32>
    %add3A_13 = arith.addf %add3A_12, %squeeze3A_10 : vector<12x128xf32>
    %gt3A = arith.constant 0.000000e+00 : f32
    %gt3A_14 = vector.broadcast %gt3A : f32 to vector<12x128xf32>
    %gt3A_15 = arith.cmpf ogt, %add3A_13, %gt3A_14 : vector<12x128xf32>
    %mul3A = arith.constant 2.600000e+01 : f32
    %mul3A_16 = vector.broadcast %mul3A : f32 to vector<12x128xf32>
    %mul3A_17 = arith.mulf %squeeze3A, %mul3A_16 : vector<12x128xf32>
    %mul3A_18 = arith.constant 2.600000e+01 : f32
    %mul3A_19 = vector.broadcast %mul3A_18 : f32 to vector<12x128xf32>
    %mul3A_20 = arith.mulf %squeeze3A_4, %mul3A_19 : vector<12x128xf32>
    %mul3A_21 = arith.constant 2.600000e+01 : f32
    %mul3A_22 = vector.broadcast %mul3A_21 : f32 to vector<12x128xf32>
    %mul3A_23 = arith.mulf %squeeze3A_6, %mul3A_22 : vector<12x128xf32>
    %mul3A_24 = arith.constant 2.600000e+01 : f32
    %mul3A_25 = vector.broadcast %mul3A_24 : f32 to vector<12x128xf32>
    %mul3A_26 = arith.mulf %squeeze3A_8, %mul3A_25 : vector<12x128xf32>
    %convert_element_type3A = arith.fptosi %mul3A_17 : vector<12x128xf32> to vector<12x128xi32>
    %convert_element_type3A_27 = arith.fptosi %mul3A_20 : vector<12x128xf32> to vector<12x128xi32>
    %mul3A_28 = arith.constant 26 : i32
    %mul3A_29 = vector.broadcast %mul3A_28 : i32 to vector<12x128xi32>
    %mul3A_30 = arith.muli %convert_element_type3A_27, %mul3A_29 : vector<12x128xi32>
    %add3A_31 = arith.addi %mul3A_30, %convert_element_type3A : vector<12x128xi32>
    %min3A = arith.constant 1.322100e+00 : f32
    %min3A_32 = vector.broadcast %min3A : f32 to vector<12x128xf32>
    %min3A_33 = arith.minimumf %mul3A_23, %min3A_32 : vector<12x128xf32>
    %min3A_34 = arith.constant 1.731450e+00 : f32
    %min3A_35 = vector.broadcast %min3A_34 : f32 to vector<12x128xf32>
    %min3A_36 = arith.minimumf %mul3A_26, %min3A_35 : vector<12x128xf32>
    %mul3A_37 = arith.mulf %min3A_33, %min3A_36 : vector<12x128xf32>
    %mul3A_38 = arith.mulf %mul3A_23, %mul3A_26 : vector<12x128xf32>
    %add3A_39 = arith.constant 2.289150e+00 : f32
    %add3A_40 = vector.broadcast %add3A_39 : f32 to vector<12x128xf32>
    %add3A_41 = arith.addf %mul3A_38, %add3A_40 : vector<12x128xf32>
    %sub3A = arith.subf %add3A_41, %mul3A_37 : vector<12x128xf32>
    %add3A_42 = arith.constant 1.000000e-07 : f32
    %add3A_43 = vector.broadcast %add3A_42 : f32 to vector<12x128xf32>
    %add3A_44 = arith.addf %sub3A, %add3A_43 : vector<12x128xf32>
    %div3A = arith.divf %mul3A_37, %add3A_44 : vector<12x128xf32>
    %min3A_45 = arith.constant 3.192750e+00 : f32
    %min3A_46 = vector.broadcast %min3A_45 : f32 to vector<12x128xf32>
    %min3A_47 = arith.minimumf %mul3A_23, %min3A_46 : vector<12x128xf32>
    %min3A_48 = arith.constant 4.009440e+00 : f32
    %min3A_49 = vector.broadcast %min3A_48 : f32 to vector<12x128xf32>
    %min3A_50 = arith.minimumf %mul3A_26, %min3A_49 : vector<12x128xf32>
    %mul3A_51 = arith.mulf %min3A_47, %min3A_50 : vector<12x128xf32>
    %mul3A_52 = arith.mulf %mul3A_23, %mul3A_26 : vector<12x128xf32>
    %add3A_53 = arith.constant 12.8011398 : f32
    %add3A_54 = vector.broadcast %add3A_53 : f32 to vector<12x128xf32>
    %add3A_55 = arith.addf %mul3A_52, %add3A_54 : vector<12x128xf32>
    %sub3A_56 = arith.subf %add3A_55, %mul3A_51 : vector<12x128xf32>
    %add3A_57 = arith.constant 1.000000e-07 : f32
    %add3A_58 = vector.broadcast %add3A_57 : f32 to vector<12x128xf32>
    %add3A_59 = arith.addf %sub3A_56, %add3A_58 : vector<12x128xf32>
    %div3A_60 = arith.divf %mul3A_51, %add3A_59 : vector<12x128xf32>
    %min3A_61 = arith.constant 5.055870e+00 : f32
    %min3A_62 = vector.broadcast %min3A_61 : f32 to vector<12x128xf32>
    %min3A_63 = arith.minimumf %mul3A_23, %min3A_62 : vector<12x128xf32>
    %min3A_64 = arith.constant 8.09891986 : f32
    %min3A_65 = vector.broadcast %min3A_64 : f32 to vector<12x128xf32>
    %min3A_66 = arith.minimumf %mul3A_26, %min3A_65 : vector<12x128xf32>
    %mul3A_67 = arith.mulf %min3A_63, %min3A_66 : vector<12x128xf32>
    %mul3A_68 = arith.mulf %mul3A_23, %mul3A_26 : vector<12x128xf32>
    %add3A_69 = arith.constant 40.9470863 : f32
    %add3A_70 = vector.broadcast %add3A_69 : f32 to vector<12x128xf32>
    %add3A_71 = arith.addf %mul3A_68, %add3A_70 : vector<12x128xf32>
    %sub3A_72 = arith.subf %add3A_71, %mul3A_67 : vector<12x128xf32>
    %add3A_73 = arith.constant 1.000000e-07 : f32
    %add3A_74 = vector.broadcast %add3A_73 : f32 to vector<12x128xf32>
    %add3A_75 = arith.addf %sub3A_72, %add3A_74 : vector<12x128xf32>
    %div3A_76 = arith.divf %mul3A_67, %add3A_75 : vector<12x128xf32>
    %min3A_77 = arith.constant 9.47111988 : f32
    %min3A_78 = vector.broadcast %min3A_77 : f32 to vector<12x128xf32>
    %min3A_79 = arith.minimumf %mul3A_23, %min3A_78 : vector<12x128xf32>
    %min3A_80 = arith.constant 4.840530e+00 : f32
    %min3A_81 = vector.broadcast %min3A_80 : f32 to vector<12x128xf32>
    %min3A_82 = arith.minimumf %mul3A_26, %min3A_81 : vector<12x128xf32>
    %mul3A_83 = arith.mulf %min3A_79, %min3A_82 : vector<12x128xf32>
    %mul3A_84 = arith.mulf %mul3A_23, %mul3A_26 : vector<12x128xf32>
    %add3A_85 = arith.constant 45.8452415 : f32
    %add3A_86 = vector.broadcast %add3A_85 : f32 to vector<12x128xf32>
    %add3A_87 = arith.addf %mul3A_84, %add3A_86 : vector<12x128xf32>
    %sub3A_88 = arith.subf %add3A_87, %mul3A_83 : vector<12x128xf32>
    %add3A_89 = arith.constant 1.000000e-07 : f32
    %add3A_90 = vector.broadcast %add3A_89 : f32 to vector<12x128xf32>
    %add3A_91 = arith.addf %sub3A_88, %add3A_90 : vector<12x128xf32>
    %div3A_92 = arith.divf %mul3A_83, %add3A_91 : vector<12x128xf32>
    %min3A_93 = arith.constant 1.123640e+01 : f32
    %min3A_94 = vector.broadcast %min3A_93 : f32 to vector<12x128xf32>
    %min3A_95 = arith.minimumf %mul3A_23, %min3A_94 : vector<12x128xf32>
    %min3A_96 = arith.constant 1.000710e+01 : f32
    %min3A_97 = vector.broadcast %min3A_96 : f32 to vector<12x128xf32>
    %min3A_98 = arith.minimumf %mul3A_26, %min3A_97 : vector<12x128xf32>
    %mul3A_99 = arith.mulf %min3A_95, %min3A_98 : vector<12x128xf32>
    %mul3A_100 = arith.mulf %mul3A_23, %mul3A_26 : vector<12x128xf32>
    %add3A_101 = arith.constant 112.443779 : f32
    %add3A_102 = vector.broadcast %add3A_101 : f32 to vector<12x128xf32>
    %add3A_103 = arith.addf %mul3A_100, %add3A_102 : vector<12x128xf32>
    %sub3A_104 = arith.subf %add3A_103, %mul3A_99 : vector<12x128xf32>
    %add3A_105 = arith.constant 1.000000e-07 : f32
    %add3A_106 = vector.broadcast %add3A_105 : f32 to vector<12x128xf32>
    %add3A_107 = arith.addf %sub3A_104, %add3A_106 : vector<12x128xf32>
    %div3A_108 = arith.divf %mul3A_99, %add3A_107 : vector<12x128xf32>
    %broadcast_in_dim3A = arith.constant 0 : i32
    %broadcast_in_dim3A_109 = vector.broadcast %broadcast_in_dim3A : i32 to vector<12x128xi32>
    %gt3A_110 = arith.cmpf ogt, %div3A_60, %div3A : vector<12x128xf32>
    %jit3A = arith.constant 1 : i32
    %broadcast_in_dim3A_111 = vector.broadcast %jit3A : i32 to vector<12x128xi32>
    %select_n3A = arith.select %gt3A_110, %broadcast_in_dim3A_111, %broadcast_in_dim3A_109 : vector<12x128xi1>, vector<12x128xi32>
    %max3A = arith.maximumf %div3A, %div3A_60 : vector<12x128xf32>
    %gt3A_112 = arith.cmpf ogt, %div3A_76, %max3A : vector<12x128xf32>
    %jit3A_113 = arith.constant 2 : i32
    %broadcast_in_dim3A_114 = vector.broadcast %jit3A_113 : i32 to vector<12x128xi32>
    %select_n3A_115 = arith.select %gt3A_112, %broadcast_in_dim3A_114, %select_n3A : vector<12x128xi1>, vector<12x128xi32>
    %max3A_116 = arith.maximumf %max3A, %div3A_76 : vector<12x128xf32>
    %gt3A_117 = arith.cmpf ogt, %div3A_92, %max3A_116 : vector<12x128xf32>
    %jit3A_118 = arith.constant 3 : i32
    %broadcast_in_dim3A_119 = vector.broadcast %jit3A_118 : i32 to vector<12x128xi32>
    %select_n3A_120 = arith.select %gt3A_117, %broadcast_in_dim3A_119, %select_n3A_115 : vector<12x128xi1>, vector<12x128xi32>
    %max3A_121 = arith.maximumf %max3A_116, %div3A_92 : vector<12x128xf32>
    %gt3A_122 = arith.cmpf ogt, %div3A_108, %max3A_121 : vector<12x128xf32>
    %jit3A_123 = arith.constant 4 : i32
    %broadcast_in_dim3A_124 = vector.broadcast %jit3A_123 : i32 to vector<12x128xi32>
    %select_n3A_125 = arith.select %gt3A_122, %broadcast_in_dim3A_124, %select_n3A_120 : vector<12x128xi1>, vector<12x128xi32>
    %broadcast_in_dim3A_126 = arith.constant 0.000000e+00 : f32
    %broadcast_in_dim3A_127 = vector.broadcast %broadcast_in_dim3A_126 : f32 to vector<12x128xf32>
    %broadcast_in_dim3A_128 = arith.constant 0.000000e+00 : f32
    %broadcast_in_dim3A_129 = vector.broadcast %broadcast_in_dim3A_128 : f32 to vector<12x128xf32>
    %eq3A = arith.constant 0 : i32
    %eq3A_130 = vector.broadcast %eq3A : i32 to vector<12x128xi32>
    %eq3A_131 = arith.cmpi eq, %select_n3A_125, %eq3A_130 : vector<12x128xi32>
    %convert_element_type3A_132 = arith.extui %eq3A_131 : vector<12x128xi1> to vector<12x128xi32>
    %convert_element_type3A_133 = arith.sitofp %convert_element_type3A_132 : vector<12x128xi32> to vector<12x128xf32>
    %mul3A_134 = arith.constant 1.322100e+00 : f32
    %mul3A_135 = vector.broadcast %mul3A_134 : f32 to vector<12x128xf32>
    %mul3A_136 = arith.mulf %convert_element_type3A_133, %mul3A_135 : vector<12x128xf32>
    %add3A_137 = arith.addf %broadcast_in_dim3A_127, %mul3A_136 : vector<12x128xf32>
    %mul3A_138 = arith.constant 1.731450e+00 : f32
    %mul3A_139 = vector.broadcast %mul3A_138 : f32 to vector<12x128xf32>
    %mul3A_140 = arith.mulf %convert_element_type3A_133, %mul3A_139 : vector<12x128xf32>
    %add3A_141 = arith.addf %broadcast_in_dim3A_129, %mul3A_140 : vector<12x128xf32>
    %eq3A_142 = arith.constant 1 : i32
    %eq3A_143 = vector.broadcast %eq3A_142 : i32 to vector<12x128xi32>
    %eq3A_144 = arith.cmpi eq, %select_n3A_125, %eq3A_143 : vector<12x128xi32>
    %convert_element_type3A_145 = arith.extui %eq3A_144 : vector<12x128xi1> to vector<12x128xi32>
    %convert_element_type3A_146 = arith.sitofp %convert_element_type3A_145 : vector<12x128xi32> to vector<12x128xf32>
    %mul3A_147 = arith.constant 3.192750e+00 : f32
    %mul3A_148 = vector.broadcast %mul3A_147 : f32 to vector<12x128xf32>
    %mul3A_149 = arith.mulf %convert_element_type3A_146, %mul3A_148 : vector<12x128xf32>
    %add3A_150 = arith.addf %add3A_137, %mul3A_149 : vector<12x128xf32>
    %mul3A_151 = arith.constant 4.009440e+00 : f32
    %mul3A_152 = vector.broadcast %mul3A_151 : f32 to vector<12x128xf32>
    %mul3A_153 = arith.mulf %convert_element_type3A_146, %mul3A_152 : vector<12x128xf32>
    %add3A_154 = arith.addf %add3A_141, %mul3A_153 : vector<12x128xf32>
    %eq3A_155 = arith.constant 2 : i32
    %eq3A_156 = vector.broadcast %eq3A_155 : i32 to vector<12x128xi32>
    %eq3A_157 = arith.cmpi eq, %select_n3A_125, %eq3A_156 : vector<12x128xi32>
    %convert_element_type3A_158 = arith.extui %eq3A_157 : vector<12x128xi1> to vector<12x128xi32>
    %convert_element_type3A_159 = arith.sitofp %convert_element_type3A_158 : vector<12x128xi32> to vector<12x128xf32>
    %mul3A_160 = arith.constant 5.055870e+00 : f32
    %mul3A_161 = vector.broadcast %mul3A_160 : f32 to vector<12x128xf32>
    %mul3A_162 = arith.mulf %convert_element_type3A_159, %mul3A_161 : vector<12x128xf32>
    %add3A_163 = arith.addf %add3A_150, %mul3A_162 : vector<12x128xf32>
    %mul3A_164 = arith.constant 8.09891986 : f32
    %mul3A_165 = vector.broadcast %mul3A_164 : f32 to vector<12x128xf32>
    %mul3A_166 = arith.mulf %convert_element_type3A_159, %mul3A_165 : vector<12x128xf32>
    %add3A_167 = arith.addf %add3A_154, %mul3A_166 : vector<12x128xf32>
    %eq3A_168 = arith.constant 3 : i32
    %eq3A_169 = vector.broadcast %eq3A_168 : i32 to vector<12x128xi32>
    %eq3A_170 = arith.cmpi eq, %select_n3A_125, %eq3A_169 : vector<12x128xi32>
    %convert_element_type3A_171 = arith.extui %eq3A_170 : vector<12x128xi1> to vector<12x128xi32>
    %convert_element_type3A_172 = arith.sitofp %convert_element_type3A_171 : vector<12x128xi32> to vector<12x128xf32>
    %mul3A_173 = arith.constant 9.47111988 : f32
    %mul3A_174 = vector.broadcast %mul3A_173 : f32 to vector<12x128xf32>
    %mul3A_175 = arith.mulf %convert_element_type3A_172, %mul3A_174 : vector<12x128xf32>
    %add3A_176 = arith.addf %add3A_163, %mul3A_175 : vector<12x128xf32>
    %mul3A_177 = arith.constant 4.840530e+00 : f32
    %mul3A_178 = vector.broadcast %mul3A_177 : f32 to vector<12x128xf32>
    %mul3A_179 = arith.mulf %convert_element_type3A_172, %mul3A_178 : vector<12x128xf32>
    %add3A_180 = arith.addf %add3A_167, %mul3A_179 : vector<12x128xf32>
    %eq3A_181 = arith.constant 4 : i32
    %eq3A_182 = vector.broadcast %eq3A_181 : i32 to vector<12x128xi32>
    %eq3A_183 = arith.cmpi eq, %select_n3A_125, %eq3A_182 : vector<12x128xi32>
    %convert_element_type3A_184 = arith.extui %eq3A_183 : vector<12x128xi1> to vector<12x128xi32>
    %convert_element_type3A_185 = arith.sitofp %convert_element_type3A_184 : vector<12x128xi32> to vector<12x128xf32>
    %mul3A_186 = arith.constant 1.123640e+01 : f32
    %mul3A_187 = vector.broadcast %mul3A_186 : f32 to vector<12x128xf32>
    %mul3A_188 = arith.mulf %convert_element_type3A_185, %mul3A_187 : vector<12x128xf32>
    %add3A_189 = arith.addf %add3A_176, %mul3A_188 : vector<12x128xf32>
    %mul3A_190 = arith.constant 1.000710e+01 : f32
    %mul3A_191 = vector.broadcast %mul3A_190 : f32 to vector<12x128xf32>
    %mul3A_192 = arith.mulf %convert_element_type3A_185, %mul3A_191 : vector<12x128xf32>
    %add3A_193 = arith.addf %add3A_180, %mul3A_192 : vector<12x128xf32>
    %convert_element_type3A_194 = arith.sitofp %convert_element_type3A : vector<12x128xi32> to vector<12x128xf32>
    %sub3A_195 = arith.subf %mul3A_17, %convert_element_type3A_194 : vector<12x128xf32>
    %convert_element_type3A_196 = arith.sitofp %convert_element_type3A_27 : vector<12x128xi32> to vector<12x128xf32>
    %sub3A_197 = arith.subf %mul3A_20, %convert_element_type3A_196 : vector<12x128xf32>
    %div3A_198 = arith.divf %mul3A_23, %add3A_189 : vector<12x128xf32>
    %div3A_199 = arith.divf %mul3A_26, %add3A_193 : vector<12x128xf32>
    %iota3A = tpu.iota {dimensions = array<i32: 0>} : vector<12x12x1xi32>
    %iota3A_200 = tpu.iota {dimensions = array<i32: 1>} : vector<12x12x1xi32>
    %gt3A_201 = arith.cmpi sgt, %iota3A_200, %iota3A : vector<12x12x1xi32>
    %lt3A = arith.cmpi slt, %iota3A_200, %iota3A : vector<12x12x1xi32>
    %mul3A_202 = arith.constant 676 : i32
    %mul3A_203 = vector.broadcast %mul3A_202 : i32 to vector<12x128xi32>
    %mul3A_204 = arith.muli %select_n3A_125, %mul3A_203 : vector<12x128xi32>
    %add3A_205 = arith.addi %mul3A_204, %add3A_31 : vector<12x128xi32>
    %broadcast_in_dim3A_206 = vector.shape_cast %add3A_205 : vector<12x128xi32> to vector<12x1x128xi32>
    %broadcast_in_dim3A_207 = vector.shape_cast %add3A_205 : vector<12x128xi32> to vector<1x12x128xi32>
    %eq3A_208 = vector.broadcast %broadcast_in_dim3A_206 : vector<12x1x128xi32> to vector<12x12x128xi32>
    %eq3A_209 = vector.broadcast %broadcast_in_dim3A_207 : vector<1x12x128xi32> to vector<12x12x128xi32>
    %eq3A_210 = arith.cmpi eq, %eq3A_208, %eq3A_209 : vector<12x12x128xi32>
    %broadcast_in_dim3A_211 = vector.shape_cast %gt3A_15 : vector<12x128xi1> to vector<1x12x128xi1>
    %and3A = vector.broadcast %broadcast_in_dim3A_211 : vector<1x12x128xi1> to vector<12x12x128xi1>
    %and3A_212 = arith.andi %eq3A_210, %and3A : vector<12x12x128xi1>
    %and3A_213 = vector.broadcast %gt3A_201 : vector<12x12x1xi1> to vector<12x12x128xi1>
    %and3A_214 = arith.andi %and3A_212, %and3A_213 : vector<12x12x128xi1>
    %reduce_or3A = arith.constant 1.000000e+00 : f32
    %reduce_or3A_215 = arith.constant 0.000000e+00 : f32
    %reduce_or3A_216 = vector.broadcast %reduce_or3A : f32 to vector<12x12x128xf32>
    %reduce_or3A_217 = vector.broadcast %reduce_or3A_215 : f32 to vector<12x12x128xf32>
    %reduce_or3A_218 = arith.select %and3A_214, %reduce_or3A_216, %reduce_or3A_217 : vector<12x12x128xi1>, vector<12x12x128xf32>
    %reduce_or3A_219 = arith.constant dense<0xFF800000> : vector<12x128xf32>
    %reduce_or3A_220 = vector.multi_reduction <maximumf>, %reduce_or3A_218, %reduce_or3A_219 [1] : vector<12x12x128xf32> to vector<12x128xf32>
    %reduce_or3A_221 = arith.constant 0.000000e+00 : f32
    %reduce_or3A_222 = vector.broadcast %reduce_or3A_221 : f32 to vector<12x128xf32>
    %reduce_or3A_223 = arith.cmpf ogt, %reduce_or3A_220, %reduce_or3A_222 : vector<12x128xf32>
    %not3A = arith.constant dense<true> : vector<12x128xi1>
    %not3A_224 = arith.xori %reduce_or3A_223, %not3A : vector<12x128xi1>
    %and3A_225 = arith.andi %gt3A_15, %not3A_224 : vector<12x128xi1>
    %broadcast_in_dim3A_226 = vector.shape_cast %squeeze3A_10 : vector<12x128xf32> to vector<12x1x128xf32>
    %broadcast_in_dim3A_227 = vector.shape_cast %squeeze3A_10 : vector<12x128xf32> to vector<1x12x128xf32>
    %eq3A_228 = vector.broadcast %broadcast_in_dim3A_226 : vector<12x1x128xf32> to vector<12x12x128xf32>
    %eq3A_229 = vector.broadcast %broadcast_in_dim3A_227 : vector<1x12x128xf32> to vector<12x12x128xf32>
    %eq3A_230 = arith.cmpf oeq, %eq3A_228, %eq3A_229 : vector<12x12x128xf32>
    %and3A_231 = arith.andi %and3A_212, %eq3A_230 : vector<12x12x128xi1>
    %and3A_232 = vector.broadcast %gt3A_201 : vector<12x12x1xi1> to vector<12x12x128xi1>
    %and3A_233 = arith.andi %and3A_231, %and3A_232 : vector<12x12x128xi1>
    %reduce_or3A_234 = arith.constant 1.000000e+00 : f32
    %reduce_or3A_235 = arith.constant 0.000000e+00 : f32
    %reduce_or3A_236 = vector.broadcast %reduce_or3A_234 : f32 to vector<12x12x128xf32>
    %reduce_or3A_237 = vector.broadcast %reduce_or3A_235 : f32 to vector<12x12x128xf32>
    %reduce_or3A_238 = arith.select %and3A_233, %reduce_or3A_236, %reduce_or3A_237 : vector<12x12x128xi1>, vector<12x12x128xf32>
    %reduce_or3A_239 = arith.constant dense<0xFF800000> : vector<12x128xf32>
    %reduce_or3A_240 = vector.multi_reduction <maximumf>, %reduce_or3A_238, %reduce_or3A_239 [1] : vector<12x12x128xf32> to vector<12x128xf32>
    %reduce_or3A_241 = arith.constant 0.000000e+00 : f32
    %reduce_or3A_242 = vector.broadcast %reduce_or3A_241 : f32 to vector<12x128xf32>
    %reduce_or3A_243 = arith.cmpf ogt, %reduce_or3A_240, %reduce_or3A_242 : vector<12x128xf32>
    %not3A_244 = arith.constant dense<true> : vector<12x128xi1>
    %not3A_245 = arith.xori %reduce_or3A_243, %not3A_244 : vector<12x128xi1>
    %and3A_246 = arith.andi %gt3A_15, %not3A_245 : vector<12x128xi1>
    %broadcast_in_dim3A_247 = vector.shape_cast %add3A_31 : vector<12x128xi32> to vector<12x1x128xi32>
    %broadcast_in_dim3A_248 = vector.shape_cast %add3A_31 : vector<12x128xi32> to vector<1x12x128xi32>
    %eq3A_249 = vector.broadcast %broadcast_in_dim3A_247 : vector<12x1x128xi32> to vector<12x12x128xi32>
    %eq3A_250 = vector.broadcast %broadcast_in_dim3A_248 : vector<1x12x128xi32> to vector<12x12x128xi32>
    %eq3A_251 = arith.cmpi eq, %eq3A_249, %eq3A_250 : vector<12x12x128xi32>
    %and3A_252 = vector.broadcast %lt3A : vector<12x12x1xi1> to vector<12x12x128xi1>
    %and3A_253 = arith.andi %and3A_252, %eq3A_251 : vector<12x12x128xi1>
    %gt3A_254 = arith.constant 5.000000e-01 : f32
    %gt3A_255 = vector.broadcast %gt3A_254 : f32 to vector<12x128xf32>
    %gt3A_256 = arith.cmpf ogt, %div3A, %gt3A_255 : vector<12x128xf32>
    %and3A_257 = arith.andi %gt3A_15, %gt3A_256 : vector<12x128xi1>
    %broadcast_in_dim3A_258 = vector.shape_cast %and3A_257 : vector<12x128xi1> to vector<1x12x128xi1>
    %and3A_259 = vector.broadcast %broadcast_in_dim3A_258 : vector<1x12x128xi1> to vector<12x12x128xi1>
    %and3A_260 = arith.andi %and3A_253, %and3A_259 : vector<12x12x128xi1>
    %reduce_or3A_261 = arith.constant 1.000000e+00 : f32
    %reduce_or3A_262 = arith.constant 0.000000e+00 : f32
    %reduce_or3A_263 = vector.broadcast %reduce_or3A_261 : f32 to vector<12x12x128xf32>
    %reduce_or3A_264 = vector.broadcast %reduce_or3A_262 : f32 to vector<12x12x128xf32>
    %reduce_or3A_265 = arith.select %and3A_260, %reduce_or3A_263, %reduce_or3A_264 : vector<12x12x128xi1>, vector<12x12x128xf32>
    %reduce_or3A_266 = arith.constant dense<0xFF800000> : vector<12x128xf32>
    %reduce_or3A_267 = vector.multi_reduction <maximumf>, %reduce_or3A_265, %reduce_or3A_266 [1] : vector<12x12x128xf32> to vector<12x128xf32>
    %reduce_or3A_268 = arith.constant 0.000000e+00 : f32
    %reduce_or3A_269 = vector.broadcast %reduce_or3A_268 : f32 to vector<12x128xf32>
    %reduce_or3A_270 = arith.cmpf ogt, %reduce_or3A_267, %reduce_or3A_269 : vector<12x128xf32>
    %not3A_271 = arith.constant dense<true> : vector<12x128xi1>
    %not3A_272 = arith.xori %reduce_or3A_270, %not3A_271 : vector<12x128xi1>
    %and3A_273 = arith.andi %and3A_257, %not3A_272 : vector<12x128xi1>
    %convert_element_type3A_274 = arith.extui %and3A_273 : vector<12x128xi1> to vector<12x128xi32>
    %convert_element_type3A_275 = arith.sitofp %convert_element_type3A_274 : vector<12x128xi32> to vector<12x128xf32>
    %gt3A_276 = arith.constant 5.000000e-01 : f32
    %gt3A_277 = vector.broadcast %gt3A_276 : f32 to vector<12x128xf32>
    %gt3A_278 = arith.cmpf ogt, %div3A_60, %gt3A_277 : vector<12x128xf32>
    %and3A_279 = arith.andi %gt3A_15, %gt3A_278 : vector<12x128xi1>
    %broadcast_in_dim3A_280 = vector.shape_cast %and3A_279 : vector<12x128xi1> to vector<1x12x128xi1>
    %and3A_281 = vector.broadcast %broadcast_in_dim3A_280 : vector<1x12x128xi1> to vector<12x12x128xi1>
    %and3A_282 = arith.andi %and3A_253, %and3A_281 : vector<12x12x128xi1>
    %reduce_or3A_283 = arith.constant 1.000000e+00 : f32
    %reduce_or3A_284 = arith.constant 0.000000e+00 : f32
    %reduce_or3A_285 = vector.broadcast %reduce_or3A_283 : f32 to vector<12x12x128xf32>
    %reduce_or3A_286 = vector.broadcast %reduce_or3A_284 : f32 to vector<12x12x128xf32>
    %reduce_or3A_287 = arith.select %and3A_282, %reduce_or3A_285, %reduce_or3A_286 : vector<12x12x128xi1>, vector<12x12x128xf32>
    %reduce_or3A_288 = arith.constant dense<0xFF800000> : vector<12x128xf32>
    %reduce_or3A_289 = vector.multi_reduction <maximumf>, %reduce_or3A_287, %reduce_or3A_288 [1] : vector<12x12x128xf32> to vector<12x128xf32>
    %reduce_or3A_290 = arith.constant 0.000000e+00 : f32
    %reduce_or3A_291 = vector.broadcast %reduce_or3A_290 : f32 to vector<12x128xf32>
    %reduce_or3A_292 = arith.cmpf ogt, %reduce_or3A_289, %reduce_or3A_291 : vector<12x128xf32>
    %not3A_293 = arith.constant dense<true> : vector<12x128xi1>
    %not3A_294 = arith.xori %reduce_or3A_292, %not3A_293 : vector<12x128xi1>
    %and3A_295 = arith.andi %and3A_279, %not3A_294 : vector<12x128xi1>
    %convert_element_type3A_296 = arith.extui %and3A_295 : vector<12x128xi1> to vector<12x128xi32>
    %convert_element_type3A_297 = arith.sitofp %convert_element_type3A_296 : vector<12x128xi32> to vector<12x128xf32>
    %gt3A_298 = arith.constant 5.000000e-01 : f32
    %gt3A_299 = vector.broadcast %gt3A_298 : f32 to vector<12x128xf32>
    %gt3A_300 = arith.cmpf ogt, %div3A_76, %gt3A_299 : vector<12x128xf32>
    %and3A_301 = arith.andi %gt3A_15, %gt3A_300 : vector<12x128xi1>
    %broadcast_in_dim3A_302 = vector.shape_cast %and3A_301 : vector<12x128xi1> to vector<1x12x128xi1>
    %and3A_303 = vector.broadcast %broadcast_in_dim3A_302 : vector<1x12x128xi1> to vector<12x12x128xi1>
    %and3A_304 = arith.andi %and3A_253, %and3A_303 : vector<12x12x128xi1>
    %reduce_or3A_305 = arith.constant 1.000000e+00 : f32
    %reduce_or3A_306 = arith.constant 0.000000e+00 : f32
    %reduce_or3A_307 = vector.broadcast %reduce_or3A_305 : f32 to vector<12x12x128xf32>
    %reduce_or3A_308 = vector.broadcast %reduce_or3A_306 : f32 to vector<12x12x128xf32>
    %reduce_or3A_309 = arith.select %and3A_304, %reduce_or3A_307, %reduce_or3A_308 : vector<12x12x128xi1>, vector<12x12x128xf32>
    %reduce_or3A_310 = arith.constant dense<0xFF800000> : vector<12x128xf32>
    %reduce_or3A_311 = vector.multi_reduction <maximumf>, %reduce_or3A_309, %reduce_or3A_310 [1] : vector<12x12x128xf32> to vector<12x128xf32>
    %reduce_or3A_312 = arith.constant 0.000000e+00 : f32
    %reduce_or3A_313 = vector.broadcast %reduce_or3A_312 : f32 to vector<12x128xf32>
    %reduce_or3A_314 = arith.cmpf ogt, %reduce_or3A_311, %reduce_or3A_313 : vector<12x128xf32>
    %not3A_315 = arith.constant dense<true> : vector<12x128xi1>
    %not3A_316 = arith.xori %reduce_or3A_314, %not3A_315 : vector<12x128xi1>
    %and3A_317 = arith.andi %and3A_301, %not3A_316 : vector<12x128xi1>
    %convert_element_type3A_318 = arith.extui %and3A_317 : vector<12x128xi1> to vector<12x128xi32>
    %convert_element_type3A_319 = arith.sitofp %convert_element_type3A_318 : vector<12x128xi32> to vector<12x128xf32>
    %gt3A_320 = arith.constant 5.000000e-01 : f32
    %gt3A_321 = vector.broadcast %gt3A_320 : f32 to vector<12x128xf32>
    %gt3A_322 = arith.cmpf ogt, %div3A_92, %gt3A_321 : vector<12x128xf32>
    %and3A_323 = arith.andi %gt3A_15, %gt3A_322 : vector<12x128xi1>
    %broadcast_in_dim3A_324 = vector.shape_cast %and3A_323 : vector<12x128xi1> to vector<1x12x128xi1>
    %and3A_325 = vector.broadcast %broadcast_in_dim3A_324 : vector<1x12x128xi1> to vector<12x12x128xi1>
    %and3A_326 = arith.andi %and3A_253, %and3A_325 : vector<12x12x128xi1>
    %reduce_or3A_327 = arith.constant 1.000000e+00 : f32
    %reduce_or3A_328 = arith.constant 0.000000e+00 : f32
    %reduce_or3A_329 = vector.broadcast %reduce_or3A_327 : f32 to vector<12x12x128xf32>
    %reduce_or3A_330 = vector.broadcast %reduce_or3A_328 : f32 to vector<12x12x128xf32>
    %reduce_or3A_331 = arith.select %and3A_326, %reduce_or3A_329, %reduce_or3A_330 : vector<12x12x128xi1>, vector<12x12x128xf32>
    %reduce_or3A_332 = arith.constant dense<0xFF800000> : vector<12x128xf32>
    %reduce_or3A_333 = vector.multi_reduction <maximumf>, %reduce_or3A_331, %reduce_or3A_332 [1] : vector<12x12x128xf32> to vector<12x128xf32>
    %reduce_or3A_334 = arith.constant 0.000000e+00 : f32
    %reduce_or3A_335 = vector.broadcast %reduce_or3A_334 : f32 to vector<12x128xf32>
    %reduce_or3A_336 = arith.cmpf ogt, %reduce_or3A_333, %reduce_or3A_335 : vector<12x128xf32>
    %not3A_337 = arith.constant dense<true> : vector<12x128xi1>
    %not3A_338 = arith.xori %reduce_or3A_336, %not3A_337 : vector<12x128xi1>
    %and3A_339 = arith.andi %and3A_323, %not3A_338 : vector<12x128xi1>
    %convert_element_type3A_340 = arith.extui %and3A_339 : vector<12x128xi1> to vector<12x128xi32>
    %convert_element_type3A_341 = arith.sitofp %convert_element_type3A_340 : vector<12x128xi32> to vector<12x128xf32>
    %gt3A_342 = arith.constant 5.000000e-01 : f32
    %gt3A_343 = vector.broadcast %gt3A_342 : f32 to vector<12x128xf32>
    %gt3A_344 = arith.cmpf ogt, %div3A_108, %gt3A_343 : vector<12x128xf32>
    %and3A_345 = arith.andi %gt3A_15, %gt3A_344 : vector<12x128xi1>
    %broadcast_in_dim3A_346 = vector.shape_cast %and3A_345 : vector<12x128xi1> to vector<1x12x128xi1>
    %and3A_347 = vector.broadcast %broadcast_in_dim3A_346 : vector<1x12x128xi1> to vector<12x12x128xi1>
    %and3A_348 = arith.andi %and3A_253, %and3A_347 : vector<12x12x128xi1>
    %reduce_or3A_349 = arith.constant 1.000000e+00 : f32
    %reduce_or3A_350 = arith.constant 0.000000e+00 : f32
    %reduce_or3A_351 = vector.broadcast %reduce_or3A_349 : f32 to vector<12x12x128xf32>
    %reduce_or3A_352 = vector.broadcast %reduce_or3A_350 : f32 to vector<12x12x128xf32>
    %reduce_or3A_353 = arith.select %and3A_348, %reduce_or3A_351, %reduce_or3A_352 : vector<12x12x128xi1>, vector<12x12x128xf32>
    %reduce_or3A_354 = arith.constant dense<0xFF800000> : vector<12x128xf32>
    %reduce_or3A_355 = vector.multi_reduction <maximumf>, %reduce_or3A_353, %reduce_or3A_354 [1] : vector<12x12x128xf32> to vector<12x128xf32>
    %reduce_or3A_356 = arith.constant 0.000000e+00 : f32
    %reduce_or3A_357 = vector.broadcast %reduce_or3A_356 : f32 to vector<12x128xf32>
    %reduce_or3A_358 = arith.cmpf ogt, %reduce_or3A_355, %reduce_or3A_357 : vector<12x128xf32>
    %not3A_359 = arith.constant dense<true> : vector<12x128xi1>
    %not3A_360 = arith.xori %reduce_or3A_358, %not3A_359 : vector<12x128xi1>
    %and3A_361 = arith.andi %and3A_345, %not3A_360 : vector<12x128xi1>
    %convert_element_type3A_362 = arith.extui %and3A_361 : vector<12x128xi1> to vector<12x128xi32>
    %convert_element_type3A_363 = arith.sitofp %convert_element_type3A_362 : vector<12x128xi32> to vector<12x128xf32>
    %stack3A = vector.shape_cast %convert_element_type3A_275 : vector<12x128xf32> to vector<1x12x128xf32>
    %stack3A_364 = vector.shape_cast %convert_element_type3A_297 : vector<12x128xf32> to vector<1x12x128xf32>
    %stack3A_365 = vector.shape_cast %convert_element_type3A_319 : vector<12x128xf32> to vector<1x12x128xf32>
    %stack3A_366 = vector.shape_cast %convert_element_type3A_341 : vector<12x128xf32> to vector<1x12x128xf32>
    %stack3A_367 = vector.shape_cast %convert_element_type3A_363 : vector<12x128xf32> to vector<1x12x128xf32>
    %stack3A_368 = tpu.concatenate %stack3A, %stack3A_364, %stack3A_365, %stack3A_366, %stack3A_367 in 0 : vector<1x12x128xf32>, vector<1x12x128xf32>, vector<1x12x128xf32>, vector<1x12x128xf32>, vector<1x12x128xf32> -> vector<5x12x128xf32>
    %iota3A_369 = tpu.iota {dimensions = array<i32: 1>} : vector<12x128xi32>
    %mul3A_370 = arith.constant 287300 : i32
    %mul3A_371 = vector.broadcast %mul3A_370 : i32 to vector<12x128xi32>
    %mul3A_372 = arith.muli %iota3A_369, %mul3A_371 : vector<12x128xi32>
    %mul3A_373 = arith.constant 57460 : i32
    %mul3A_374 = vector.broadcast %mul3A_373 : i32 to vector<12x128xi32>
    %mul3A_375 = arith.muli %select_n3A_125, %mul3A_374 : vector<12x128xi32>
    %add3A_376 = arith.addi %mul3A_372, %mul3A_375 : vector<12x128xi32>
    %add3A_377 = arith.addi %add3A_376, %add3A_31 : vector<12x128xi32>
    %iota3A_378 = tpu.iota {dimensions = array<i32: 0>} : vector<85x12x128xi32>
    %broadcast_in_dim3A_379 = vector.shape_cast %add3A_377 : vector<12x128xi32> to vector<1x12x128xi32>
    %mul3A_380 = arith.constant 676 : i32
    %mul3A_381 = vector.broadcast %mul3A_380 : i32 to vector<85x12x128xi32>
    %mul3A_382 = arith.muli %mul3A_381, %iota3A_378 : vector<85x12x128xi32>
    %add3A_383 = vector.broadcast %broadcast_in_dim3A_379 : vector<1x12x128xi32> to vector<85x12x128xi32>
    %add3A_384 = arith.addi %add3A_383, %mul3A_382 : vector<85x12x128xi32>
    %swap3A = arith.constant 0 : index
    %swap3A_385 = arith.constant 0 : index
    %swap3A_386 = arith.constant 0 : index
    %swap3A_387 = vector.load %arg1[%swap3A, %swap3A_385, %swap3A_386] : memref<85x12x128xi32, #tpu.memory_space<vmem>>, vector<85x12x128xi32>
    tpu.vector_store %arg1[%swap3A, %swap3A_385, %swap3A_386], %add3A_384 {strides = array<i32>} : memref<85x12x128xi32, #tpu.memory_space<vmem>>, vector<85x12x128xi32>,
    %iota3A_388 = tpu.iota {dimensions = array<i32: 0>} : vector<5x12x128xi32>
    %broadcast_in_dim3A_389 = vector.shape_cast %iota3A_369 : vector<12x128xi32> to vector<1x12x128xi32>
    %mul3A_390 = arith.constant 287300 : i32
    %mul3A_391 = vector.broadcast %mul3A_390 : i32 to vector<1x12x128xi32>
    %mul3A_392 = arith.muli %broadcast_in_dim3A_389, %mul3A_391 : vector<1x12x128xi32>
    %mul3A_393 = arith.constant 85 : i32
    %mul3A_394 = vector.broadcast %mul3A_393 : i32 to vector<5x12x128xi32>
    %mul3A_395 = arith.muli %mul3A_394, %iota3A_388 : vector<5x12x128xi32>
    %add3A_396 = arith.constant 4 : i32
    %add3A_397 = vector.broadcast %add3A_396 : i32 to vector<5x12x128xi32>
    %add3A_398 = arith.addi %mul3A_395, %add3A_397 : vector<5x12x128xi32>
    %mul3A_399 = arith.constant 676 : i32
    %mul3A_400 = vector.broadcast %mul3A_399 : i32 to vector<5x12x128xi32>
    %mul3A_401 = arith.muli %add3A_398, %mul3A_400 : vector<5x12x128xi32>
    %add3A_402 = vector.broadcast %mul3A_392 : vector<1x12x128xi32> to vector<5x12x128xi32>
    %add3A_403 = arith.addi %add3A_402, %mul3A_401 : vector<5x12x128xi32>
    %broadcast_in_dim3A_404 = vector.shape_cast %add3A_31 : vector<12x128xi32> to vector<1x12x128xi32>
    %add3A_405 = vector.broadcast %broadcast_in_dim3A_404 : vector<1x12x128xi32> to vector<5x12x128xi32>
    %add3A_406 = arith.addi %add3A_403, %add3A_405 : vector<5x12x128xi32>
    %swap3A_407 = arith.constant 0 : index
    %swap3A_408 = arith.constant 0 : index
    %swap3A_409 = arith.constant 0 : index
    %swap3A_410 = vector.load %arg2[%swap3A_407, %swap3A_408, %swap3A_409] : memref<5x12x128xi32, #tpu.memory_space<vmem>>, vector<5x12x128xi32>
    tpu.vector_store %arg2[%swap3A_407, %swap3A_408, %swap3A_409], %add3A_406 {strides = array<i32>} : memref<5x12x128xi32, #tpu.memory_space<vmem>>, vector<5x12x128xi32>,
    %convert_element_type3A_411 = arith.extui %and3A_225 : vector<12x128xi1> to vector<12x128xi32>
    %convert_element_type3A_412 = arith.sitofp %convert_element_type3A_411 : vector<12x128xi32> to vector<12x128xf32>
    %swap3A_413 = arith.constant 0 : index
    %swap3A_414 = arith.constant 0 : index
    %swap3A_415 = vector.load %arg3[%swap3A_413, %swap3A_414] : memref<12x128xf32, #tpu.memory_space<vmem>>, vector<12x128xf32>
    tpu.vector_store %arg3[%swap3A_413, %swap3A_414], %convert_element_type3A_412 {strides = array<i32>} : memref<12x128xf32, #tpu.memory_space<vmem>>, vector<12x128xf32>,
    %convert_element_type3A_416 = arith.extui %and3A_246 : vector<12x128xi1> to vector<12x128xi32>
    %convert_element_type3A_417 = arith.sitofp %convert_element_type3A_416 : vector<12x128xi32> to vector<12x128xf32>
    %swap3A_418 = arith.constant 0 : index
    %swap3A_419 = arith.constant 0 : index
    %swap3A_420 = vector.load %arg4[%swap3A_418, %swap3A_419] : memref<12x128xf32, #tpu.memory_space<vmem>>, vector<12x128xf32>
    tpu.vector_store %arg4[%swap3A_418, %swap3A_419], %convert_element_type3A_417 {strides = array<i32>} : memref<12x128xf32, #tpu.memory_space<vmem>>, vector<12x128xf32>,
    %swap3A_421 = arith.constant 0 : index
    %swap3A_422 = arith.constant 0 : index
    %swap3A_423 = vector.load %arg5[%swap3A_421, %swap3A_422] : memref<12x128xf32, #tpu.memory_space<vmem>>, vector<12x128xf32>
    tpu.vector_store %arg5[%swap3A_421, %swap3A_422], %squeeze3A_10 {strides = array<i32>} : memref<12x128xf32, #tpu.memory_space<vmem>>, vector<12x128xf32>,
    %stack3A_424 = vector.shape_cast %sub3A_195 : vector<12x128xf32> to vector<1x12x128xf32>
    %stack3A_425 = vector.shape_cast %sub3A_197 : vector<12x128xf32> to vector<1x12x128xf32>
    %stack3A_426 = vector.shape_cast %div3A_198 : vector<12x128xf32> to vector<1x12x128xf32>
    %stack3A_427 = vector.shape_cast %div3A_199 : vector<12x128xf32> to vector<1x12x128xf32>
    %stack3A_428 = tpu.concatenate %stack3A_424, %stack3A_425, %stack3A_426, %stack3A_427 in 0 : vector<1x12x128xf32>, vector<1x12x128xf32>, vector<1x12x128xf32>, vector<1x12x128xf32> -> vector<4x12x128xf32>
    %swap3A_429 = arith.constant 0 : index
    %swap3A_430 = arith.constant 0 : index
    %swap3A_431 = arith.constant 0 : index
    %swap3A_432 = vector.load %arg6[%swap3A_429, %swap3A_430, %swap3A_431] : memref<4x12x128xf32, #tpu.memory_space<vmem>>, vector<4x12x128xf32>
    tpu.vector_store %arg6[%swap3A_429, %swap3A_430, %swap3A_431], %stack3A_428 {strides = array<i32>} : memref<4x12x128xf32, #tpu.memory_space<vmem>>, vector<4x12x128xf32>,
    %swap3A_433 = arith.constant 0 : index
    %swap3A_434 = arith.constant 0 : index
    %swap3A_435 = arith.constant 0 : index
    %swap3A_436 = vector.load %arg7[%swap3A_433, %swap3A_434, %swap3A_435] : memref<5x12x128xf32, #tpu.memory_space<vmem>>, vector<5x12x128xf32>
    tpu.vector_store %arg7[%swap3A_433, %swap3A_434, %swap3A_435], %stack3A_368 {strides = array<i32>} : memref<5x12x128xf32, #tpu.memory_space<vmem>>, vector<5x12x128xf32>,
    return
  }
}

module attributes {stable_mosaic.version = 14 : i64} {
  func.func @_loss_body(%arg0: i32, %arg1: memref<128x1x1x676xf32, #tpu.memory_space<vmem>>, %arg2: memref<85x12x128xf32, #tpu.memory_space<vmem>>, %arg3: memref<5x12x128xf32, #tpu.memory_space<vmem>>, %arg4: memref<12x128xf32, #tpu.memory_space<vmem>>, %arg5: memref<12x128xf32, #tpu.memory_space<vmem>>, %arg6: memref<12x128xf32, #tpu.memory_space<vmem>>, %arg7: memref<4x12x128xf32, #tpu.memory_space<vmem>>, %arg8: memref<5x12x128xf32, #tpu.memory_space<vmem>>, %arg9: memref<1x1xf32, #tpu.memory_space<smem>>, %arg10: memref<1x1xf32, #tpu.memory_space<smem>>) attributes {dimension_semantics = [#tpu.dimension_semantics<arbitrary>], iteration_bounds = array<i64: 5>, scalar_prefetch = 0 : i64, scratch_operands = 1 : i64, tpu.core_type = #tpu.core_type<tc>, window_params = [{transform_indices = @transform_0, window_bounds = array<i64: 128, 1, 1, 676>}, {pipeline_mode = #tpu.pipeline_mode<synchronous>, transform_indices = @transform_1, window_bounds = array<i64: 85, 12, 128>}, {pipeline_mode = #tpu.pipeline_mode<synchronous>, transform_indices = @transform_2, window_bounds = array<i64: 5, 12, 128>}, {pipeline_mode = #tpu.pipeline_mode<synchronous>, transform_indices = @transform_3, window_bounds = array<i64: 12, 128>}, {pipeline_mode = #tpu.pipeline_mode<synchronous>, transform_indices = @transform_4, window_bounds = array<i64: 12, 128>}, {pipeline_mode = #tpu.pipeline_mode<synchronous>, transform_indices = @transform_5, window_bounds = array<i64: 12, 128>}, {pipeline_mode = #tpu.pipeline_mode<synchronous>, transform_indices = @transform_6, window_bounds = array<i64: 4, 12, 128>}, {pipeline_mode = #tpu.pipeline_mode<synchronous>, transform_indices = @transform_7, window_bounds = array<i64: 5, 12, 128>}, {transform_indices = @transform_8, window_bounds = array<i64: 1, 1>}]} {
    %eq3A = arith.constant 0 : i32
    %eq3A_0 = arith.cmpi eq, %arg0, %eq3A : i32
    %convert_element_type3A = arith.extui %eq3A_0 : i1 to i32
    %cond3A = arith.constant 0 : i32
    %cond3A_1 = arith.cmpi ne, %convert_element_type3A, %cond3A : i32
    scf.if %cond3A_1 {
      %swap3A_47 = arith.constant 0.000000e+00 : f32
      %swap3A_48 = arith.constant 0 : index
      %swap3A_49 = arith.constant 0 : index
      %swap3A_50 = memref.load %arg10[%swap3A_48, %swap3A_49] : memref<1x1xf32, #tpu.memory_space<smem>>
      memref.store %swap3A_47, %arg10[%swap3A_48, %swap3A_49] : memref<1x1xf32, #tpu.memory_space<smem>>
    } else {
    }
    %get3A = arith.constant 0 : index
    %get3A_2 = arith.constant 0 : index
    %get3A_3 = arith.constant 0 : index
    %get3A_4 = arith.constant 0 : index
    %get3A_5 = vector.load %arg1[%get3A, %get3A_2, %get3A_3, %get3A_4] : memref<128x1x1x676xf32, #tpu.memory_space<vmem>>, vector<128x1x1x676xf32>
    %logistic3A = arith.negf %get3A_5 : vector<128x1x1x676xf32>
    %logistic3A_6 = math.exp %logistic3A : vector<128x1x1x676xf32>
    %logistic3A_7 = arith.constant 1.000000e+00 : f32
    %logistic3A_8 = vector.broadcast %logistic3A_7 : f32 to vector<128x1x1x676xf32>
    %logistic3A_9 = arith.addf %logistic3A_8, %logistic3A_6 : vector<128x1x1x676xf32>
    %logistic3A_10 = arith.divf %logistic3A_8, %logistic3A_9 : vector<128x1x1x676xf32>
    %get3A_11 = arith.constant 0 : index
    %get3A_12 = arith.constant 0 : index
    %get3A_13 = memref.load %arg10[%get3A_11, %get3A_12] : memref<1x1xf32, #tpu.memory_space<smem>>
    %broadcast_in_dim3A = arith.constant 0.000000e+00 : f32
    %broadcast_in_dim3A_14 = vector.broadcast %broadcast_in_dim3A : f32 to vector<128x1x1x676xf32>
    %max3A = arith.constant 9.949210e-44 : f32
    %max3A_15 = vector.broadcast %max3A : f32 to vector<128x1x1x676xf32>
    %max3A_16 = arith.maximumf %logistic3A_10, %max3A_15 : vector<128x1x1x676xf32>
    %log3A = math.log %max3A_16 : vector<128x1x1x676xf32>
    %max3A_17 = arith.constant -1.000000e+02 : f32
    %max3A_18 = vector.broadcast %max3A_17 : f32 to vector<128x1x1x676xf32>
    %max3A_19 = arith.maximumf %log3A, %max3A_18 : vector<128x1x1x676xf32>
    %sub3A = arith.constant 1.000000e+00 : f32
    %sub3A_20 = vector.broadcast %sub3A : f32 to vector<128x1x1x676xf32>
    %sub3A_21 = arith.subf %sub3A_20, %logistic3A_10 : vector<128x1x1x676xf32>
    %max3A_22 = arith.constant 9.949210e-44 : f32
    %max3A_23 = vector.broadcast %max3A_22 : f32 to vector<128x1x1x676xf32>
    %max3A_24 = arith.maximumf %sub3A_21, %max3A_23 : vector<128x1x1x676xf32>
    %log3A_25 = math.log %max3A_24 : vector<128x1x1x676xf32>
    %max3A_26 = arith.constant -1.000000e+02 : f32
    %max3A_27 = vector.broadcast %max3A_26 : f32 to vector<128x1x1x676xf32>
    %max3A_28 = arith.maximumf %log3A_25, %max3A_27 : vector<128x1x1x676xf32>
    %mul3A = arith.mulf %broadcast_in_dim3A_14, %max3A_19 : vector<128x1x1x676xf32>
    %sub3A_29 = arith.constant 1.000000e+00 : f32
    %sub3A_30 = vector.broadcast %sub3A_29 : f32 to vector<128x1x1x676xf32>
    %sub3A_31 = arith.subf %sub3A_30, %broadcast_in_dim3A_14 : vector<128x1x1x676xf32>
    %mul3A_32 = arith.mulf %sub3A_31, %max3A_28 : vector<128x1x1x676xf32>
    %add3A = arith.addf %mul3A, %mul3A_32 : vector<128x1x1x676xf32>
    %neg3A = arith.constant 0.000000e+00 : f32
    %neg3A_33 = vector.broadcast %neg3A : f32 to vector<128x1x1x676xf32>
    %neg3A_34 = arith.subf %neg3A_33, %add3A : vector<128x1x1x676xf32>
    %reduce_sum3A = vector.shape_cast %neg3A_34 : vector<128x1x1x676xf32> to vector<1x128x1x1x676xf32>
    %reduce_sum3A_35 = arith.constant dense<0.000000e+00> : vector<1xf32>
    %reduce_sum3A_36 = vector.multi_reduction <add>, %reduce_sum3A, %reduce_sum3A_35 [1, 2, 3, 4] : vector<1x128x1x1x676xf32> to vector<1xf32>
    %reduce_sum3A_37 = vector.shape_cast %reduce_sum3A_36 : vector<1xf32> to vector<1x1x1x1x1xf32>
    %reduce_sum3A_38 = vector.extract %reduce_sum3A_37[0, 0, 0, 0, 0] : f32 from vector<1x1x1x1x1xf32>
    %add3A_39 = arith.addf %get3A_13, %reduce_sum3A_38 : f32
    %swap3A = arith.constant 0 : index
    %swap3A_40 = arith.constant 0 : index
    %swap3A_41 = memref.load %arg10[%swap3A, %swap3A_40] : memref<1x1xf32, #tpu.memory_space<smem>>
    memref.store %add3A_39, %arg10[%swap3A, %swap3A_40] : memref<1x1xf32, #tpu.memory_space<smem>>
    %eq3A_42 = arith.constant 4 : i32
    %eq3A_43 = arith.cmpi eq, %arg0, %eq3A_42 : i32
    %convert_element_type3A_44 = arith.extui %eq3A_43 : i1 to i32
    %cond3A_45 = arith.constant 0 : i32
    %cond3A_46 = arith.cmpi ne, %convert_element_type3A_44, %cond3A_45 : i32
    scf.if %cond3A_46 {
      %get3A_47 = arith.constant 0 : index
      %get3A_48 = arith.constant 0 : index
      %get3A_49 = arith.constant 0 : index
      %get3A_50 = vector.load %arg2[%get3A_47, %get3A_48, %get3A_49] : memref<85x12x128xf32, #tpu.memory_space<vmem>>, vector<85x12x128xf32>
      %get3A_51 = arith.constant 0 : index
      %get3A_52 = arith.constant 0 : index
      %get3A_53 = vector.load %arg4[%get3A_51, %get3A_52] : memref<12x128xf32, #tpu.memory_space<vmem>>, vector<12x128xf32>
      %get3A_54 = arith.constant 0 : index
      %get3A_55 = arith.constant 0 : index
      %get3A_56 = vector.load %arg5[%get3A_54, %get3A_55] : memref<12x128xf32, #tpu.memory_space<vmem>>, vector<12x128xf32>
      %get3A_57 = arith.constant 0 : index
      %get3A_58 = arith.constant 0 : index
      %get3A_59 = vector.load %arg6[%get3A_57, %get3A_58] : memref<12x128xf32, #tpu.memory_space<vmem>>, vector<12x128xf32>
      %get3A_60 = arith.constant 0 : index
      %get3A_61 = arith.constant 0 : index
      %get3A_62 = arith.constant 0 : index
      %get3A_63 = vector.load %arg7[%get3A_60, %get3A_61, %get3A_62] : memref<4x12x128xf32, #tpu.memory_space<vmem>>, vector<4x12x128xf32>
      %get3A_64 = arith.constant 0 : index
      %get3A_65 = arith.constant 0 : index
      %get3A_66 = arith.constant 0 : index
      %get3A_67 = vector.load %arg8[%get3A_64, %get3A_65, %get3A_66] : memref<5x12x128xf32, #tpu.memory_space<vmem>>, vector<5x12x128xf32>
      %slice3A = vector.extract_strided_slice %get3A_50 {offsets = [4, 0, 0], sizes = [1, 12, 128], strides = [1, 1, 1]} : vector<85x12x128xf32> to vector<1x12x128xf32>
      %squeeze3A = vector.shape_cast %slice3A : vector<1x12x128xf32> to vector<12x128xf32>
      %logistic3A_68 = arith.negf %squeeze3A : vector<12x128xf32>
      %logistic3A_69 = math.exp %logistic3A_68 : vector<12x128xf32>
      %logistic3A_70 = arith.constant 1.000000e+00 : f32
      %logistic3A_71 = vector.broadcast %logistic3A_70 : f32 to vector<12x128xf32>
      %logistic3A_72 = arith.addf %logistic3A_71, %logistic3A_69 : vector<12x128xf32>
      %logistic3A_73 = arith.divf %logistic3A_71, %logistic3A_72 : vector<12x128xf32>
      %slice3A_74 = vector.extract_strided_slice %get3A_50 {offsets = [5, 0, 0], sizes = [80, 12, 128], strides = [1, 1, 1]} : vector<85x12x128xf32> to vector<80x12x128xf32>
      %logistic3A_75 = arith.negf %slice3A_74 : vector<80x12x128xf32>
      %logistic3A_76 = math.exp %logistic3A_75 : vector<80x12x128xf32>
      %logistic3A_77 = arith.constant 1.000000e+00 : f32
      %logistic3A_78 = vector.broadcast %logistic3A_77 : f32 to vector<80x12x128xf32>
      %logistic3A_79 = arith.addf %logistic3A_78, %logistic3A_76 : vector<80x12x128xf32>
      %logistic3A_80 = arith.divf %logistic3A_78, %logistic3A_79 : vector<80x12x128xf32>
      %slice3A_81 = vector.extract_strided_slice %get3A_50 {offsets = [0, 0, 0], sizes = [1, 12, 128], strides = [1, 1, 1]} : vector<85x12x128xf32> to vector<1x12x128xf32>
      %squeeze3A_82 = vector.shape_cast %slice3A_81 : vector<1x12x128xf32> to vector<12x128xf32>
      %logistic3A_83 = arith.negf %squeeze3A_82 : vector<12x128xf32>
      %logistic3A_84 = math.exp %logistic3A_83 : vector<12x128xf32>
      %logistic3A_85 = arith.constant 1.000000e+00 : f32
      %logistic3A_86 = vector.broadcast %logistic3A_85 : f32 to vector<12x128xf32>
      %logistic3A_87 = arith.addf %logistic3A_86, %logistic3A_84 : vector<12x128xf32>
      %logistic3A_88 = arith.divf %logistic3A_86, %logistic3A_87 : vector<12x128xf32>
      %slice3A_89 = vector.extract_strided_slice %get3A_50 {offsets = [1, 0, 0], sizes = [1, 12, 128], strides = [1, 1, 1]} : vector<85x12x128xf32> to vector<1x12x128xf32>
      %squeeze3A_90 = vector.shape_cast %slice3A_89 : vector<1x12x128xf32> to vector<12x128xf32>
      %logistic3A_91 = arith.negf %squeeze3A_90 : vector<12x128xf32>
      %logistic3A_92 = math.exp %logistic3A_91 : vector<12x128xf32>
      %logistic3A_93 = arith.constant 1.000000e+00 : f32
      %logistic3A_94 = vector.broadcast %logistic3A_93 : f32 to vector<12x128xf32>
      %logistic3A_95 = arith.addf %logistic3A_94, %logistic3A_92 : vector<12x128xf32>
      %logistic3A_96 = arith.divf %logistic3A_94, %logistic3A_95 : vector<12x128xf32>
      %slice3A_97 = vector.extract_strided_slice %get3A_50 {offsets = [2, 0, 0], sizes = [1, 12, 128], strides = [1, 1, 1]} : vector<85x12x128xf32> to vector<1x12x128xf32>
      %squeeze3A_98 = vector.shape_cast %slice3A_97 : vector<1x12x128xf32> to vector<12x128xf32>
      %exp3A = math.exp %squeeze3A_98 : vector<12x128xf32>
      %slice3A_99 = vector.extract_strided_slice %get3A_50 {offsets = [3, 0, 0], sizes = [1, 12, 128], strides = [1, 1, 1]} : vector<85x12x128xf32> to vector<1x12x128xf32>
      %squeeze3A_100 = vector.shape_cast %slice3A_99 : vector<1x12x128xf32> to vector<12x128xf32>
      %exp3A_101 = math.exp %squeeze3A_100 : vector<12x128xf32>
      %slice3A_102 = vector.extract_strided_slice %get3A_63 {offsets = [0, 0, 0], sizes = [1, 12, 128], strides = [1, 1, 1]} : vector<4x12x128xf32> to vector<1x12x128xf32>
      %squeeze3A_103 = vector.shape_cast %slice3A_102 : vector<1x12x128xf32> to vector<12x128xf32>
      %slice3A_104 = vector.extract_strided_slice %get3A_63 {offsets = [1, 0, 0], sizes = [1, 12, 128], strides = [1, 1, 1]} : vector<4x12x128xf32> to vector<1x12x128xf32>
      %squeeze3A_105 = vector.shape_cast %slice3A_104 : vector<1x12x128xf32> to vector<12x128xf32>
      %slice3A_106 = vector.extract_strided_slice %get3A_63 {offsets = [2, 0, 0], sizes = [1, 12, 128], strides = [1, 1, 1]} : vector<4x12x128xf32> to vector<1x12x128xf32>
      %squeeze3A_107 = vector.shape_cast %slice3A_106 : vector<1x12x128xf32> to vector<12x128xf32>
      %slice3A_108 = vector.extract_strided_slice %get3A_63 {offsets = [3, 0, 0], sizes = [1, 12, 128], strides = [1, 1, 1]} : vector<4x12x128xf32> to vector<1x12x128xf32>
      %squeeze3A_109 = vector.shape_cast %slice3A_108 : vector<1x12x128xf32> to vector<12x128xf32>
      %mul3A_110 = arith.constant 5.000000e-01 : f32
      %mul3A_111 = vector.broadcast %mul3A_110 : f32 to vector<12x128xf32>
      %mul3A_112 = arith.mulf %exp3A, %mul3A_111 : vector<12x128xf32>
      %sub3A_113 = arith.subf %logistic3A_88, %mul3A_112 : vector<12x128xf32>
      %mul3A_114 = arith.constant 5.000000e-01 : f32
      %mul3A_115 = vector.broadcast %mul3A_114 : f32 to vector<12x128xf32>
      %mul3A_116 = arith.mulf %exp3A, %mul3A_115 : vector<12x128xf32>
      %add3A_117 = arith.addf %logistic3A_88, %mul3A_116 : vector<12x128xf32>
      %mul3A_118 = arith.constant 5.000000e-01 : f32
      %mul3A_119 = vector.broadcast %mul3A_118 : f32 to vector<12x128xf32>
      %mul3A_120 = arith.mulf %exp3A_101, %mul3A_119 : vector<12x128xf32>
      %sub3A_121 = arith.subf %logistic3A_96, %mul3A_120 : vector<12x128xf32>
      %mul3A_122 = arith.constant 5.000000e-01 : f32
      %mul3A_123 = vector.broadcast %mul3A_122 : f32 to vector<12x128xf32>
      %mul3A_124 = arith.mulf %exp3A_101, %mul3A_123 : vector<12x128xf32>
      %add3A_125 = arith.addf %logistic3A_96, %mul3A_124 : vector<12x128xf32>
      %mul3A_126 = arith.constant 5.000000e-01 : f32
      %mul3A_127 = vector.broadcast %mul3A_126 : f32 to vector<12x128xf32>
      %mul3A_128 = arith.mulf %squeeze3A_107, %mul3A_127 : vector<12x128xf32>
      %sub3A_129 = arith.subf %squeeze3A_103, %mul3A_128 : vector<12x128xf32>
      %mul3A_130 = arith.constant 5.000000e-01 : f32
      %mul3A_131 = vector.broadcast %mul3A_130 : f32 to vector<12x128xf32>
      %mul3A_132 = arith.mulf %squeeze3A_107, %mul3A_131 : vector<12x128xf32>
      %add3A_133 = arith.addf %squeeze3A_103, %mul3A_132 : vector<12x128xf32>
      %mul3A_134 = arith.constant 5.000000e-01 : f32
      %mul3A_135 = vector.broadcast %mul3A_134 : f32 to vector<12x128xf32>
      %mul3A_136 = arith.mulf %squeeze3A_109, %mul3A_135 : vector<12x128xf32>
      %sub3A_137 = arith.subf %squeeze3A_105, %mul3A_136 : vector<12x128xf32>
      %mul3A_138 = arith.constant 5.000000e-01 : f32
      %mul3A_139 = vector.broadcast %mul3A_138 : f32 to vector<12x128xf32>
      %mul3A_140 = arith.mulf %squeeze3A_109, %mul3A_139 : vector<12x128xf32>
      %add3A_141 = arith.addf %squeeze3A_105, %mul3A_140 : vector<12x128xf32>
      %min3A = arith.minimumf %add3A_117, %add3A_133 : vector<12x128xf32>
      %max3A_142 = arith.maximumf %sub3A_113, %sub3A_129 : vector<12x128xf32>
      %sub3A_143 = arith.subf %min3A, %max3A_142 : vector<12x128xf32>
      %jit3A = arith.constant 0.000000e+00 : f32
      %max3A_144 = vector.broadcast %jit3A : f32 to vector<12x128xf32>
      %max3A_145 = arith.maximumf %max3A_144, %sub3A_143 : vector<12x128xf32>
      %min3A_146 = arith.minimumf %add3A_125, %add3A_141 : vector<12x128xf32>
      %max3A_147 = arith.maximumf %sub3A_121, %sub3A_137 : vector<12x128xf32>
      %sub3A_148 = arith.subf %min3A_146, %max3A_147 : vector<12x128xf32>
      %jit3A_149 = arith.constant 0.000000e+00 : f32
      %max3A_150 = vector.broadcast %jit3A_149 : f32 to vector<12x128xf32>
      %max3A_151 = arith.maximumf %max3A_150, %sub3A_148 : vector<12x128xf32>
      %mul3A_152 = arith.mulf %max3A_145, %max3A_151 : vector<12x128xf32>
      %sub3A_153 = arith.subf %add3A_117, %sub3A_113 : vector<12x128xf32>
      %sub3A_154 = arith.subf %add3A_125, %sub3A_121 : vector<12x128xf32>
      %add3A_155 = arith.constant 1.000000e-07 : f32
      %add3A_156 = vector.broadcast %add3A_155 : f32 to vector<12x128xf32>
      %add3A_157 = arith.addf %sub3A_154, %add3A_156 : vector<12x128xf32>
      %sub3A_158 = arith.subf %add3A_133, %sub3A_129 : vector<12x128xf32>
      %sub3A_159 = arith.subf %add3A_141, %sub3A_137 : vector<12x128xf32>
      %add3A_160 = arith.constant 1.000000e-07 : f32
      %add3A_161 = vector.broadcast %add3A_160 : f32 to vector<12x128xf32>
      %add3A_162 = arith.addf %sub3A_159, %add3A_161 : vector<12x128xf32>
      %mul3A_163 = arith.mulf %sub3A_153, %add3A_157 : vector<12x128xf32>
      %mul3A_164 = arith.mulf %sub3A_158, %add3A_162 : vector<12x128xf32>
      %add3A_165 = arith.addf %mul3A_163, %mul3A_164 : vector<12x128xf32>
      %sub3A_166 = arith.subf %add3A_165, %mul3A_152 : vector<12x128xf32>
      %add3A_167 = arith.constant 1.000000e-07 : f32
      %add3A_168 = vector.broadcast %add3A_167 : f32 to vector<12x128xf32>
      %add3A_169 = arith.addf %sub3A_166, %add3A_168 : vector<12x128xf32>
      %div3A = arith.divf %mul3A_152, %add3A_169 : vector<12x128xf32>
      %max3A_170 = arith.maximumf %add3A_117, %add3A_133 : vector<12x128xf32>
      %min3A_171 = arith.minimumf %sub3A_113, %sub3A_129 : vector<12x128xf32>
      %sub3A_172 = arith.subf %max3A_170, %min3A_171 : vector<12x128xf32>
      %max3A_173 = arith.maximumf %add3A_125, %add3A_141 : vector<12x128xf32>
      %min3A_174 = arith.minimumf %sub3A_121, %sub3A_137 : vector<12x128xf32>
      %sub3A_175 = arith.subf %max3A_173, %min3A_174 : vector<12x128xf32>
      %mul3A_176 = arith.mulf %sub3A_172, %sub3A_172 : vector<12x128xf32>
      %mul3A_177 = arith.mulf %sub3A_175, %sub3A_175 : vector<12x128xf32>
      %add3A_178 = arith.addf %mul3A_176, %mul3A_177 : vector<12x128xf32>
      %add3A_179 = arith.constant 1.000000e-07 : f32
      %add3A_180 = vector.broadcast %add3A_179 : f32 to vector<12x128xf32>
      %add3A_181 = arith.addf %add3A_178, %add3A_180 : vector<12x128xf32>
      %add3A_182 = arith.addf %sub3A_129, %add3A_133 : vector<12x128xf32>
      %sub3A_183 = arith.subf %add3A_182, %sub3A_113 : vector<12x128xf32>
      %sub3A_184 = arith.subf %sub3A_183, %add3A_117 : vector<12x128xf32>
      %integer_pow3A = arith.mulf %sub3A_184, %sub3A_184 : vector<12x128xf32>
      %add3A_185 = arith.addf %sub3A_137, %add3A_141 : vector<12x128xf32>
      %sub3A_186 = arith.subf %add3A_185, %sub3A_121 : vector<12x128xf32>
      %sub3A_187 = arith.subf %sub3A_186, %add3A_125 : vector<12x128xf32>
      %integer_pow3A_188 = arith.mulf %sub3A_187, %sub3A_187 : vector<12x128xf32>
      %add3A_189 = arith.addf %integer_pow3A, %integer_pow3A_188 : vector<12x128xf32>
      %div3A_190 = arith.constant 4.000000e+00 : f32
      %div3A_191 = vector.broadcast %div3A_190 : f32 to vector<12x128xf32>
      %div3A_192 = arith.divf %add3A_189, %div3A_191 : vector<12x128xf32>
      %div3A_193 = arith.divf %sub3A_158, %add3A_162 : vector<12x128xf32>
      %gt3A = arith.constant 2.41421366 : f32
      %gt3A_194 = vector.broadcast %gt3A : f32 to vector<12x128xf32>
      %gt3A_195 = arith.cmpf ogt, %div3A_193, %gt3A_194 : vector<12x128xf32>
      %gt3A_196 = arith.constant 0.414213568 : f32
      %gt3A_197 = vector.broadcast %gt3A_196 : f32 to vector<12x128xf32>
      %gt3A_198 = arith.cmpf ogt, %div3A_193, %gt3A_197 : vector<12x128xf32>
      %div3A_199 = arith.constant -1.000000e+00 : f32
      %div3A_200 = vector.broadcast %div3A_199 : f32 to vector<12x128xf32>
      %div3A_201 = arith.divf %div3A_200, %div3A_193 : vector<12x128xf32>
      %sub3A_202 = arith.constant 1.000000e+00 : f32
      %sub3A_203 = vector.broadcast %sub3A_202 : f32 to vector<12x128xf32>
      %sub3A_204 = arith.subf %div3A_193, %sub3A_203 : vector<12x128xf32>
      %add3A_205 = arith.constant 1.000000e+00 : f32
      %add3A_206 = vector.broadcast %add3A_205 : f32 to vector<12x128xf32>
      %add3A_207 = arith.addf %div3A_193, %add3A_206 : vector<12x128xf32>
      %div3A_208 = arith.divf %sub3A_204, %add3A_207 : vector<12x128xf32>
      %select_n3A = arith.select %gt3A_198, %div3A_208, %div3A_193 : vector<12x128xi1>, vector<12x128xf32>
      %select_n3A_209 = arith.select %gt3A_195, %div3A_201, %select_n3A : vector<12x128xi1>, vector<12x128xf32>
      %jit3A_210 = arith.constant 0.785398185 : f32
      %jit3A_211 = arith.constant 0.000000e+00 : f32
      %broadcast_in_dim3A_212 = vector.broadcast %jit3A_210 : f32 to vector<12x128xf32>
      %broadcast_in_dim3A_213 = vector.broadcast %jit3A_211 : f32 to vector<12x128xf32>
      %select_n3A_214 = arith.select %gt3A_198, %broadcast_in_dim3A_212, %broadcast_in_dim3A_213 : vector<12x128xi1>, vector<12x128xf32>
      %jit3A_215 = arith.constant 1.57079637 : f32
      %broadcast_in_dim3A_216 = vector.broadcast %jit3A_215 : f32 to vector<12x128xf32>
      %select_n3A_217 = arith.select %gt3A_195, %broadcast_in_dim3A_216, %select_n3A_214 : vector<12x128xi1>, vector<12x128xf32>
      %mul3A_218 = arith.mulf %select_n3A_209, %select_n3A_209 : vector<12x128xf32>
      %mul3A_219 = arith.constant 0.0805374458 : f32
      %mul3A_220 = vector.broadcast %mul3A_219 : f32 to vector<12x128xf32>
      %mul3A_221 = arith.mulf %mul3A_220, %mul3A_218 : vector<12x128xf32>
      %sub3A_222 = arith.constant 0.138776854 : f32
      %sub3A_223 = vector.broadcast %sub3A_222 : f32 to vector<12x128xf32>
      %sub3A_224 = arith.subf %mul3A_221, %sub3A_223 : vector<12x128xf32>
      %mul3A_225 = arith.mulf %sub3A_224, %mul3A_218 : vector<12x128xf32>
      %add3A_226 = arith.constant 0.199777111 : f32
      %add3A_227 = vector.broadcast %add3A_226 : f32 to vector<12x128xf32>
      %add3A_228 = arith.addf %mul3A_225, %add3A_227 : vector<12x128xf32>
      %mul3A_229 = arith.mulf %add3A_228, %mul3A_218 : vector<12x128xf32>
      %sub3A_230 = arith.constant 0.333329499 : f32
      %sub3A_231 = vector.broadcast %sub3A_230 : f32 to vector<12x128xf32>
      %sub3A_232 = arith.subf %mul3A_229, %sub3A_231 : vector<12x128xf32>
      %mul3A_233 = arith.mulf %sub3A_232, %mul3A_218 : vector<12x128xf32>
      %mul3A_234 = arith.mulf %mul3A_233, %select_n3A_209 : vector<12x128xf32>
      %add3A_235 = arith.addf %mul3A_234, %select_n3A_209 : vector<12x128xf32>
      %add3A_236 = arith.addf %select_n3A_217, %add3A_235 : vector<12x128xf32>
      %div3A_237 = arith.divf %sub3A_153, %add3A_157 : vector<12x128xf32>
      %gt3A_238 = arith.constant 2.41421366 : f32
      %gt3A_239 = vector.broadcast %gt3A_238 : f32 to vector<12x128xf32>
      %gt3A_240 = arith.cmpf ogt, %div3A_237, %gt3A_239 : vector<12x128xf32>
      %gt3A_241 = arith.constant 0.414213568 : f32
      %gt3A_242 = vector.broadcast %gt3A_241 : f32 to vector<12x128xf32>
      %gt3A_243 = arith.cmpf ogt, %div3A_237, %gt3A_242 : vector<12x128xf32>
      %div3A_244 = arith.constant -1.000000e+00 : f32
      %div3A_245 = vector.broadcast %div3A_244 : f32 to vector<12x128xf32>
      %div3A_246 = arith.divf %div3A_245, %div3A_237 : vector<12x128xf32>
      %sub3A_247 = arith.constant 1.000000e+00 : f32
      %sub3A_248 = vector.broadcast %sub3A_247 : f32 to vector<12x128xf32>
      %sub3A_249 = arith.subf %div3A_237, %sub3A_248 : vector<12x128xf32>
      %add3A_250 = arith.constant 1.000000e+00 : f32
      %add3A_251 = vector.broadcast %add3A_250 : f32 to vector<12x128xf32>
      %add3A_252 = arith.addf %div3A_237, %add3A_251 : vector<12x128xf32>
      %div3A_253 = arith.divf %sub3A_249, %add3A_252 : vector<12x128xf32>
      %select_n3A_254 = arith.select %gt3A_243, %div3A_253, %div3A_237 : vector<12x128xi1>, vector<12x128xf32>
      %select_n3A_255 = arith.select %gt3A_240, %div3A_246, %select_n3A_254 : vector<12x128xi1>, vector<12x128xf32>
      %jit3A_256 = arith.constant 0.785398185 : f32
      %jit3A_257 = arith.constant 0.000000e+00 : f32
      %broadcast_in_dim3A_258 = vector.broadcast %jit3A_256 : f32 to vector<12x128xf32>
      %broadcast_in_dim3A_259 = vector.broadcast %jit3A_257 : f32 to vector<12x128xf32>
      %select_n3A_260 = arith.select %gt3A_243, %broadcast_in_dim3A_258, %broadcast_in_dim3A_259 : vector<12x128xi1>, vector<12x128xf32>
      %jit3A_261 = arith.constant 1.57079637 : f32
      %broadcast_in_dim3A_262 = vector.broadcast %jit3A_261 : f32 to vector<12x128xf32>
      %select_n3A_263 = arith.select %gt3A_240, %broadcast_in_dim3A_262, %select_n3A_260 : vector<12x128xi1>, vector<12x128xf32>
      %mul3A_264 = arith.mulf %select_n3A_255, %select_n3A_255 : vector<12x128xf32>
      %mul3A_265 = arith.constant 0.0805374458 : f32
      %mul3A_266 = vector.broadcast %mul3A_265 : f32 to vector<12x128xf32>
      %mul3A_267 = arith.mulf %mul3A_266, %mul3A_264 : vector<12x128xf32>
      %sub3A_268 = arith.constant 0.138776854 : f32
      %sub3A_269 = vector.broadcast %sub3A_268 : f32 to vector<12x128xf32>
      %sub3A_270 = arith.subf %mul3A_267, %sub3A_269 : vector<12x128xf32>
      %mul3A_271 = arith.mulf %sub3A_270, %mul3A_264 : vector<12x128xf32>
      %add3A_272 = arith.constant 0.199777111 : f32
      %add3A_273 = vector.broadcast %add3A_272 : f32 to vector<12x128xf32>
      %add3A_274 = arith.addf %mul3A_271, %add3A_273 : vector<12x128xf32>
      %mul3A_275 = arith.mulf %add3A_274, %mul3A_264 : vector<12x128xf32>
      %sub3A_276 = arith.constant 0.333329499 : f32
      %sub3A_277 = vector.broadcast %sub3A_276 : f32 to vector<12x128xf32>
      %sub3A_278 = arith.subf %mul3A_275, %sub3A_277 : vector<12x128xf32>
      %mul3A_279 = arith.mulf %sub3A_278, %mul3A_264 : vector<12x128xf32>
      %mul3A_280 = arith.mulf %mul3A_279, %select_n3A_255 : vector<12x128xf32>
      %add3A_281 = arith.addf %mul3A_280, %select_n3A_255 : vector<12x128xf32>
      %add3A_282 = arith.addf %select_n3A_263, %add3A_281 : vector<12x128xf32>
      %sub3A_283 = arith.subf %add3A_236, %add3A_282 : vector<12x128xf32>
      %integer_pow3A_284 = arith.mulf %sub3A_283, %sub3A_283 : vector<12x128xf32>
      %mul3A_285 = arith.constant 0.405284733 : f32
      %mul3A_286 = vector.broadcast %mul3A_285 : f32 to vector<12x128xf32>
      %mul3A_287 = arith.mulf %mul3A_286, %integer_pow3A_284 : vector<12x128xf32>
      %sub3A_288 = arith.subf %mul3A_287, %div3A : vector<12x128xf32>
      %add3A_289 = arith.constant 1.00000012 : f32
      %add3A_290 = vector.broadcast %add3A_289 : f32 to vector<12x128xf32>
      %add3A_291 = arith.addf %sub3A_288, %add3A_290 : vector<12x128xf32>
      %div3A_292 = arith.divf %mul3A_287, %add3A_291 : vector<12x128xf32>
      %div3A_293 = arith.divf %div3A_192, %add3A_181 : vector<12x128xf32>
      %mul3A_294 = arith.mulf %mul3A_287, %div3A_292 : vector<12x128xf32>
      %add3A_295 = arith.addf %div3A_293, %mul3A_294 : vector<12x128xf32>
      %sub3A_296 = arith.subf %div3A, %add3A_295 : vector<12x128xf32>
      %gt3A_297 = arith.constant 0.000000e+00 : f32
      %gt3A_298 = vector.broadcast %gt3A_297 : f32 to vector<12x128xf32>
      %gt3A_299 = arith.cmpf ogt, %get3A_53, %gt3A_298 : vector<12x128xf32>
      %gt3A_300 = arith.constant 0.000000e+00 : f32
      %gt3A_301 = vector.broadcast %gt3A_300 : f32 to vector<12x128xf32>
      %gt3A_302 = arith.cmpf ogt, %sub3A_296, %gt3A_301 : vector<12x128xf32>
      %and3A = arith.andi %gt3A_299, %gt3A_302 : vector<12x128xi1>
      %convert_element_type3A_303 = arith.extui %and3A : vector<12x128xi1> to vector<12x128xi32>
      %convert_element_type3A_304 = arith.sitofp %convert_element_type3A_303 : vector<12x128xi32> to vector<12x128xf32>
      %reduce_sum3A_305 = vector.shape_cast %convert_element_type3A_304 : vector<12x128xf32> to vector<1x12x128xf32>
      %reduce_sum3A_306 = arith.constant dense<0.000000e+00> : vector<1xf32>
      %reduce_sum3A_307 = vector.multi_reduction <add>, %reduce_sum3A_305, %reduce_sum3A_306 [1, 2] : vector<1x12x128xf32> to vector<1xf32>
      %reduce_sum3A_308 = vector.shape_cast %reduce_sum3A_307 : vector<1xf32> to vector<1x1x1xf32>
      %reduce_sum3A_309 = vector.extract %reduce_sum3A_308[0, 0, 0] : f32 from vector<1x1x1xf32>
      %max3A_310 = arith.constant 1.000000e+00 : f32
      %max3A_311 = arith.maximumf %reduce_sum3A_309, %max3A_310 : f32
      %sub3A_312 = arith.constant 1.000000e+00 : f32
      %sub3A_313 = vector.broadcast %sub3A_312 : f32 to vector<12x128xf32>
      %sub3A_314 = arith.subf %sub3A_313, %sub3A_296 : vector<12x128xf32>
      %jit3A_315 = arith.constant 0.000000e+00 : f32
      %broadcast_in_dim3A_316 = vector.broadcast %jit3A_315 : f32 to vector<12x128xf32>
      %select_n3A_317 = arith.select %and3A, %sub3A_314, %broadcast_in_dim3A_316 : vector<12x128xi1>, vector<12x128xf32>
      %reduce_sum3A_318 = vector.shape_cast %select_n3A_317 : vector<12x128xf32> to vector<1x12x128xf32>
      %reduce_sum3A_319 = arith.constant dense<0.000000e+00> : vector<1xf32>
      %reduce_sum3A_320 = vector.multi_reduction <add>, %reduce_sum3A_318, %reduce_sum3A_319 [1, 2] : vector<1x12x128xf32> to vector<1xf32>
      %reduce_sum3A_321 = vector.shape_cast %reduce_sum3A_320 : vector<1xf32> to vector<1x1x1xf32>
      %reduce_sum3A_322 = vector.extract %reduce_sum3A_321[0, 0, 0] : f32 from vector<1x1x1xf32>
      %mul3A_323 = arith.constant 5.000000e-02 : f32
      %mul3A_324 = arith.mulf %mul3A_323, %reduce_sum3A_322 : f32
      %div3A_325 = arith.divf %mul3A_324, %max3A_311 : f32
      %broadcast_in_dim3A_326 = arith.constant 1.000000e+00 : f32
      %broadcast_in_dim3A_327 = vector.broadcast %broadcast_in_dim3A_326 : f32 to vector<12x128xf32>
      %max3A_328 = arith.constant 9.949210e-44 : f32
      %max3A_329 = vector.broadcast %max3A_328 : f32 to vector<12x128xf32>
      %max3A_330 = arith.maximumf %logistic3A_73, %max3A_329 : vector<12x128xf32>
      %log3A_331 = math.log %max3A_330 : vector<12x128xf32>
      %max3A_332 = arith.constant -1.000000e+02 : f32
      %max3A_333 = vector.broadcast %max3A_332 : f32 to vector<12x128xf32>
      %max3A_334 = arith.maximumf %log3A_331, %max3A_333 : vector<12x128xf32>
      %sub3A_335 = arith.constant 1.000000e+00 : f32
      %sub3A_336 = vector.broadcast %sub3A_335 : f32 to vector<12x128xf32>
      %sub3A_337 = arith.subf %sub3A_336, %logistic3A_73 : vector<12x128xf32>
      %max3A_338 = arith.constant 9.949210e-44 : f32
      %max3A_339 = vector.broadcast %max3A_338 : f32 to vector<12x128xf32>
      %max3A_340 = arith.maximumf %sub3A_337, %max3A_339 : vector<12x128xf32>
      %log3A_341 = math.log %max3A_340 : vector<12x128xf32>
      %max3A_342 = arith.constant -1.000000e+02 : f32
      %max3A_343 = vector.broadcast %max3A_342 : f32 to vector<12x128xf32>
      %max3A_344 = arith.maximumf %log3A_341, %max3A_343 : vector<12x128xf32>
      %mul3A_345 = arith.mulf %broadcast_in_dim3A_327, %max3A_334 : vector<12x128xf32>
      %sub3A_346 = arith.constant 1.000000e+00 : f32
      %sub3A_347 = vector.broadcast %sub3A_346 : f32 to vector<12x128xf32>
      %sub3A_348 = arith.subf %sub3A_347, %broadcast_in_dim3A_327 : vector<12x128xf32>
      %mul3A_349 = arith.mulf %sub3A_348, %max3A_344 : vector<12x128xf32>
      %add3A_350 = arith.addf %mul3A_345, %mul3A_349 : vector<12x128xf32>
      %neg3A_351 = arith.constant 0.000000e+00 : f32
      %neg3A_352 = vector.broadcast %neg3A_351 : f32 to vector<12x128xf32>
      %neg3A_353 = arith.subf %neg3A_352, %add3A_350 : vector<12x128xf32>
      %mul3A_354 = arith.mulf %get3A_53, %neg3A_353 : vector<12x128xf32>
      %reduce_sum3A_355 = vector.shape_cast %mul3A_354 : vector<12x128xf32> to vector<1x12x128xf32>
      %reduce_sum3A_356 = arith.constant dense<0.000000e+00> : vector<1xf32>
      %reduce_sum3A_357 = vector.multi_reduction <add>, %reduce_sum3A_355, %reduce_sum3A_356 [1, 2] : vector<1x12x128xf32> to vector<1xf32>
      %reduce_sum3A_358 = vector.shape_cast %reduce_sum3A_357 : vector<1xf32> to vector<1x1x1xf32>
      %reduce_sum3A_359 = vector.extract %reduce_sum3A_358[0, 0, 0] : f32 from vector<1x1x1xf32>
      %mul3A_360 = arith.constant 1.000000e+01 : f32
      %mul3A_361 = arith.mulf %mul3A_360, %reduce_sum3A_359 : f32
      %div3A_362 = arith.constant 4.326400e+05 : f32
      %div3A_363 = arith.divf %mul3A_361, %div3A_362 : f32
      %get3A_364 = arith.constant 0 : index
      %get3A_365 = arith.constant 0 : index
      %get3A_366 = arith.constant 0 : index
      %get3A_367 = vector.load %arg3[%get3A_364, %get3A_365, %get3A_366] : memref<5x12x128xf32, #tpu.memory_space<vmem>>, vector<5x12x128xf32>
      %logistic3A_368 = arith.negf %get3A_367 : vector<5x12x128xf32>
      %logistic3A_369 = math.exp %logistic3A_368 : vector<5x12x128xf32>
      %logistic3A_370 = arith.constant 1.000000e+00 : f32
      %logistic3A_371 = vector.broadcast %logistic3A_370 : f32 to vector<5x12x128xf32>
      %logistic3A_372 = arith.addf %logistic3A_371, %logistic3A_369 : vector<5x12x128xf32>
      %logistic3A_373 = arith.divf %logistic3A_371, %logistic3A_372 : vector<5x12x128xf32>
      %broadcast_in_dim3A_374 = arith.constant 0.000000e+00 : f32
      %broadcast_in_dim3A_375 = vector.broadcast %broadcast_in_dim3A_374 : f32 to vector<5x12x128xf32>
      %max3A_376 = arith.constant 9.949210e-44 : f32
      %max3A_377 = vector.broadcast %max3A_376 : f32 to vector<5x12x128xf32>
      %max3A_378 = arith.maximumf %logistic3A_373, %max3A_377 : vector<5x12x128xf32>
      %log3A_379 = math.log %max3A_378 : vector<5x12x128xf32>
      %max3A_380 = arith.constant -1.000000e+02 : f32
      %max3A_381 = vector.broadcast %max3A_380 : f32 to vector<5x12x128xf32>
      %max3A_382 = arith.maximumf %log3A_379, %max3A_381 : vector<5x12x128xf32>
      %sub3A_383 = arith.constant 1.000000e+00 : f32
      %sub3A_384 = vector.broadcast %sub3A_383 : f32 to vector<5x12x128xf32>
      %sub3A_385 = arith.subf %sub3A_384, %logistic3A_373 : vector<5x12x128xf32>
      %max3A_386 = arith.constant 9.949210e-44 : f32
      %max3A_387 = vector.broadcast %max3A_386 : f32 to vector<5x12x128xf32>
      %max3A_388 = arith.maximumf %sub3A_385, %max3A_387 : vector<5x12x128xf32>
      %log3A_389 = math.log %max3A_388 : vector<5x12x128xf32>
      %max3A_390 = arith.constant -1.000000e+02 : f32
      %max3A_391 = vector.broadcast %max3A_390 : f32 to vector<5x12x128xf32>
      %max3A_392 = arith.maximumf %log3A_389, %max3A_391 : vector<5x12x128xf32>
      %mul3A_393 = arith.mulf %broadcast_in_dim3A_375, %max3A_382 : vector<5x12x128xf32>
      %sub3A_394 = arith.constant 1.000000e+00 : f32
      %sub3A_395 = vector.broadcast %sub3A_394 : f32 to vector<5x12x128xf32>
      %sub3A_396 = arith.subf %sub3A_395, %broadcast_in_dim3A_375 : vector<5x12x128xf32>
      %mul3A_397 = arith.mulf %sub3A_396, %max3A_392 : vector<5x12x128xf32>
      %add3A_398 = arith.addf %mul3A_393, %mul3A_397 : vector<5x12x128xf32>
      %neg3A_399 = arith.constant 0.000000e+00 : f32
      %neg3A_400 = vector.broadcast %neg3A_399 : f32 to vector<5x12x128xf32>
      %neg3A_401 = arith.subf %neg3A_400, %add3A_398 : vector<5x12x128xf32>
      %mul3A_402 = arith.mulf %get3A_67, %neg3A_401 : vector<5x12x128xf32>
      %reduce_sum3A_403 = vector.shape_cast %mul3A_402 : vector<5x12x128xf32> to vector<1x5x12x128xf32>
      %reduce_sum3A_404 = arith.constant dense<0.000000e+00> : vector<1xf32>
      %reduce_sum3A_405 = vector.multi_reduction <add>, %reduce_sum3A_403, %reduce_sum3A_404 [1, 2, 3] : vector<1x5x12x128xf32> to vector<1xf32>
      %reduce_sum3A_406 = vector.shape_cast %reduce_sum3A_405 : vector<1xf32> to vector<1x1x1x1xf32>
      %reduce_sum3A_407 = vector.extract %reduce_sum3A_406[0, 0, 0, 0] : f32 from vector<1x1x1x1xf32>
      %get3A_408 = arith.constant 0 : index
      %get3A_409 = arith.constant 0 : index
      %get3A_410 = memref.load %arg10[%get3A_408, %get3A_409] : memref<1x1xf32, #tpu.memory_space<smem>>
      %sub3A_411 = arith.subf %get3A_410, %reduce_sum3A_407 : f32
      %mul3A_412 = arith.constant 1.000000e+00 : f32
      %mul3A_413 = arith.mulf %mul3A_412, %sub3A_411 : f32
      %div3A_414 = arith.constant 4.326400e+05 : f32
      %div3A_415 = arith.divf %mul3A_413, %div3A_414 : f32
      %broadcast_in_dim3A_416 = vector.shape_cast %get3A_53 : vector<12x128xf32> to vector<1x12x128xf32>
      %broadcast_in_dim3A_417 = arith.constant 0.000000e+00 : f32
      %broadcast_in_dim3A_418 = vector.broadcast %broadcast_in_dim3A_417 : f32 to vector<80x12x128xf32>
      %max3A_419 = arith.constant 9.949210e-44 : f32
      %max3A_420 = vector.broadcast %max3A_419 : f32 to vector<80x12x128xf32>
      %max3A_421 = arith.maximumf %logistic3A_80, %max3A_420 : vector<80x12x128xf32>
      %log3A_422 = math.log %max3A_421 : vector<80x12x128xf32>
      %max3A_423 = arith.constant -1.000000e+02 : f32
      %max3A_424 = vector.broadcast %max3A_423 : f32 to vector<80x12x128xf32>
      %max3A_425 = arith.maximumf %log3A_422, %max3A_424 : vector<80x12x128xf32>
      %sub3A_426 = arith.constant 1.000000e+00 : f32
      %sub3A_427 = vector.broadcast %sub3A_426 : f32 to vector<80x12x128xf32>
      %sub3A_428 = arith.subf %sub3A_427, %logistic3A_80 : vector<80x12x128xf32>
      %max3A_429 = arith.constant 9.949210e-44 : f32
      %max3A_430 = vector.broadcast %max3A_429 : f32 to vector<80x12x128xf32>
      %max3A_431 = arith.maximumf %sub3A_428, %max3A_430 : vector<80x12x128xf32>
      %log3A_432 = math.log %max3A_431 : vector<80x12x128xf32>
      %max3A_433 = arith.constant -1.000000e+02 : f32
      %max3A_434 = vector.broadcast %max3A_433 : f32 to vector<80x12x128xf32>
      %max3A_435 = arith.maximumf %log3A_432, %max3A_434 : vector<80x12x128xf32>
      %mul3A_436 = arith.mulf %broadcast_in_dim3A_418, %max3A_425 : vector<80x12x128xf32>
      %sub3A_437 = arith.constant 1.000000e+00 : f32
      %sub3A_438 = vector.broadcast %sub3A_437 : f32 to vector<80x12x128xf32>
      %sub3A_439 = arith.subf %sub3A_438, %broadcast_in_dim3A_418 : vector<80x12x128xf32>
      %mul3A_440 = arith.mulf %sub3A_439, %max3A_435 : vector<80x12x128xf32>
      %add3A_441 = arith.addf %mul3A_436, %mul3A_440 : vector<80x12x128xf32>
      %neg3A_442 = arith.constant 0.000000e+00 : f32
      %neg3A_443 = vector.broadcast %neg3A_442 : f32 to vector<80x12x128xf32>
      %neg3A_444 = arith.subf %neg3A_443, %add3A_441 : vector<80x12x128xf32>
      %mul3A_445 = vector.broadcast %broadcast_in_dim3A_416 : vector<1x12x128xf32> to vector<80x12x128xf32>
      %mul3A_446 = arith.mulf %mul3A_445, %neg3A_444 : vector<80x12x128xf32>
      %reduce_sum3A_447 = vector.shape_cast %mul3A_446 : vector<80x12x128xf32> to vector<1x80x12x128xf32>
      %reduce_sum3A_448 = arith.constant dense<0.000000e+00> : vector<1xf32>
      %reduce_sum3A_449 = vector.multi_reduction <add>, %reduce_sum3A_447, %reduce_sum3A_448 [1, 2, 3] : vector<1x80x12x128xf32> to vector<1xf32>
      %reduce_sum3A_450 = vector.shape_cast %reduce_sum3A_449 : vector<1xf32> to vector<1x1x1x1xf32>
      %reduce_sum3A_451 = vector.extract %reduce_sum3A_450[0, 0, 0, 0] : f32 from vector<1x1x1x1xf32>
      %iota3A = tpu.iota {dimensions = array<i32: 0>} : vector<80x12x128xi32>
      %broadcast_in_dim3A_452 = vector.shape_cast %get3A_59 : vector<12x128xf32> to vector<1x12x128xf32>
      %convert_element_type3A_453 = arith.fptosi %broadcast_in_dim3A_452 : vector<1x12x128xf32> to vector<1x12x128xi32>
      %eq3A_454 = vector.broadcast %convert_element_type3A_453 : vector<1x12x128xi32> to vector<80x12x128xi32>
      %eq3A_455 = arith.cmpi eq, %iota3A, %eq3A_454 : vector<80x12x128xi32>
      %convert_element_type3A_456 = arith.extui %eq3A_455 : vector<80x12x128xi1> to vector<80x12x128xi32>
      %convert_element_type3A_457 = arith.sitofp %convert_element_type3A_456 : vector<80x12x128xi32> to vector<80x12x128xf32>
      %broadcast_in_dim3A_458 = arith.constant 1.000000e+00 : f32
      %broadcast_in_dim3A_459 = vector.broadcast %broadcast_in_dim3A_458 : f32 to vector<80x12x128xf32>
      %max3A_460 = arith.constant 9.949210e-44 : f32
      %max3A_461 = vector.broadcast %max3A_460 : f32 to vector<80x12x128xf32>
      %max3A_462 = arith.maximumf %logistic3A_80, %max3A_461 : vector<80x12x128xf32>
      %log3A_463 = math.log %max3A_462 : vector<80x12x128xf32>
      %max3A_464 = arith.constant -1.000000e+02 : f32
      %max3A_465 = vector.broadcast %max3A_464 : f32 to vector<80x12x128xf32>
      %max3A_466 = arith.maximumf %log3A_463, %max3A_465 : vector<80x12x128xf32>
      %sub3A_467 = arith.constant 1.000000e+00 : f32
      %sub3A_468 = vector.broadcast %sub3A_467 : f32 to vector<80x12x128xf32>
      %sub3A_469 = arith.subf %sub3A_468, %logistic3A_80 : vector<80x12x128xf32>
      %max3A_470 = arith.constant 9.949210e-44 : f32
      %max3A_471 = vector.broadcast %max3A_470 : f32 to vector<80x12x128xf32>
      %max3A_472 = arith.maximumf %sub3A_469, %max3A_471 : vector<80x12x128xf32>
      %log3A_473 = math.log %max3A_472 : vector<80x12x128xf32>
      %max3A_474 = arith.constant -1.000000e+02 : f32
      %max3A_475 = vector.broadcast %max3A_474 : f32 to vector<80x12x128xf32>
      %max3A_476 = arith.maximumf %log3A_473, %max3A_475 : vector<80x12x128xf32>
      %mul3A_477 = arith.mulf %broadcast_in_dim3A_459, %max3A_466 : vector<80x12x128xf32>
      %sub3A_478 = arith.constant 1.000000e+00 : f32
      %sub3A_479 = vector.broadcast %sub3A_478 : f32 to vector<80x12x128xf32>
      %sub3A_480 = arith.subf %sub3A_479, %broadcast_in_dim3A_459 : vector<80x12x128xf32>
      %mul3A_481 = arith.mulf %sub3A_480, %max3A_476 : vector<80x12x128xf32>
      %add3A_482 = arith.addf %mul3A_477, %mul3A_481 : vector<80x12x128xf32>
      %neg3A_483 = arith.constant 0.000000e+00 : f32
      %neg3A_484 = vector.broadcast %neg3A_483 : f32 to vector<80x12x128xf32>
      %neg3A_485 = arith.subf %neg3A_484, %add3A_482 : vector<80x12x128xf32>
      %broadcast_in_dim3A_486 = arith.constant 0.000000e+00 : f32
      %broadcast_in_dim3A_487 = vector.broadcast %broadcast_in_dim3A_486 : f32 to vector<80x12x128xf32>
      %max3A_488 = arith.constant 9.949210e-44 : f32
      %max3A_489 = vector.broadcast %max3A_488 : f32 to vector<80x12x128xf32>
      %max3A_490 = arith.maximumf %logistic3A_80, %max3A_489 : vector<80x12x128xf32>
      %log3A_491 = math.log %max3A_490 : vector<80x12x128xf32>
      %max3A_492 = arith.constant -1.000000e+02 : f32
      %max3A_493 = vector.broadcast %max3A_492 : f32 to vector<80x12x128xf32>
      %max3A_494 = arith.maximumf %log3A_491, %max3A_493 : vector<80x12x128xf32>
      %sub3A_495 = arith.constant 1.000000e+00 : f32
      %sub3A_496 = vector.broadcast %sub3A_495 : f32 to vector<80x12x128xf32>
      %sub3A_497 = arith.subf %sub3A_496, %logistic3A_80 : vector<80x12x128xf32>
      %max3A_498 = arith.constant 9.949210e-44 : f32
      %max3A_499 = vector.broadcast %max3A_498 : f32 to vector<80x12x128xf32>
      %max3A_500 = arith.maximumf %sub3A_497, %max3A_499 : vector<80x12x128xf32>
      %log3A_501 = math.log %max3A_500 : vector<80x12x128xf32>
      %max3A_502 = arith.constant -1.000000e+02 : f32
      %max3A_503 = vector.broadcast %max3A_502 : f32 to vector<80x12x128xf32>
      %max3A_504 = arith.maximumf %log3A_501, %max3A_503 : vector<80x12x128xf32>
      %mul3A_505 = arith.mulf %broadcast_in_dim3A_487, %max3A_494 : vector<80x12x128xf32>
      %sub3A_506 = arith.constant 1.000000e+00 : f32
      %sub3A_507 = vector.broadcast %sub3A_506 : f32 to vector<80x12x128xf32>
      %sub3A_508 = arith.subf %sub3A_507, %broadcast_in_dim3A_487 : vector<80x12x128xf32>
      %mul3A_509 = arith.mulf %sub3A_508, %max3A_504 : vector<80x12x128xf32>
      %add3A_510 = arith.addf %mul3A_505, %mul3A_509 : vector<80x12x128xf32>
      %neg3A_511 = arith.constant 0.000000e+00 : f32
      %neg3A_512 = vector.broadcast %neg3A_511 : f32 to vector<80x12x128xf32>
      %neg3A_513 = arith.subf %neg3A_512, %add3A_510 : vector<80x12x128xf32>
      %sub3A_514 = arith.subf %neg3A_485, %neg3A_513 : vector<80x12x128xf32>
      %mul3A_515 = arith.mulf %convert_element_type3A_457, %sub3A_514 : vector<80x12x128xf32>
      %reduce_sum3A_516 = arith.constant dense<0.000000e+00> : vector<12x128xf32>
      %reduce_sum3A_517 = vector.multi_reduction <add>, %mul3A_515, %reduce_sum3A_516 [0] : vector<80x12x128xf32> to vector<12x128xf32>
      %mul3A_518 = arith.mulf %get3A_56, %reduce_sum3A_517 : vector<12x128xf32>
      %reduce_sum3A_519 = vector.shape_cast %mul3A_518 : vector<12x128xf32> to vector<1x12x128xf32>
      %reduce_sum3A_520 = arith.constant dense<0.000000e+00> : vector<1xf32>
      %reduce_sum3A_521 = vector.multi_reduction <add>, %reduce_sum3A_519, %reduce_sum3A_520 [1, 2] : vector<1x12x128xf32> to vector<1xf32>
      %reduce_sum3A_522 = vector.shape_cast %reduce_sum3A_521 : vector<1xf32> to vector<1x1x1xf32>
      %reduce_sum3A_523 = vector.extract %reduce_sum3A_522[0, 0, 0] : f32 from vector<1x1x1xf32>
      %reduce_sum3A_524 = vector.shape_cast %get3A_53 : vector<12x128xf32> to vector<1x12x128xf32>
      %reduce_sum3A_525 = arith.constant dense<0.000000e+00> : vector<1xf32>
      %reduce_sum3A_526 = vector.multi_reduction <add>, %reduce_sum3A_524, %reduce_sum3A_525 [1, 2] : vector<1x12x128xf32> to vector<1xf32>
      %reduce_sum3A_527 = vector.shape_cast %reduce_sum3A_526 : vector<1xf32> to vector<1x1x1xf32>
      %reduce_sum3A_528 = vector.extract %reduce_sum3A_527[0, 0, 0] : f32 from vector<1x1x1xf32>
      %mul3A_529 = arith.constant 8.000000e+01 : f32
      %mul3A_530 = arith.mulf %reduce_sum3A_528, %mul3A_529 : f32
      %max3A_531 = arith.constant 1.000000e+00 : f32
      %max3A_532 = arith.maximumf %mul3A_530, %max3A_531 : f32
      %add3A_533 = arith.addf %reduce_sum3A_451, %reduce_sum3A_523 : f32
      %mul3A_534 = arith.constant 1.000000e+00 : f32
      %mul3A_535 = arith.mulf %mul3A_534, %add3A_533 : f32
      %div3A_536 = arith.divf %mul3A_535, %max3A_532 : f32
      %add3A_537 = arith.addf %div3A_325, %div3A_363 : f32
      %add3A_538 = arith.addf %add3A_537, %div3A_415 : f32
      %add3A_539 = arith.addf %add3A_538, %div3A_536 : f32
      %mul3A_540 = arith.constant 1.280000e+02 : f32
      %mul3A_541 = arith.mulf %add3A_539, %mul3A_540 : f32
      %swap3A_542 = arith.constant 0 : index
      %swap3A_543 = arith.constant 0 : index
      %swap3A_544 = memref.load %arg9[%swap3A_542, %swap3A_543] : memref<1x1xf32, #tpu.memory_space<smem>>
      memref.store %mul3A_541, %arg9[%swap3A_542, %swap3A_543] : memref<1x1xf32, #tpu.memory_space<smem>>
    } else {
    }
    return
  }
  func.func @transform_0(%arg0: i32) -> (i32, i32, i32, i32) {
    %mul3A = arith.constant 85 : i32
    %mul3A_0 = arith.muli %mul3A, %arg0 : i32
    %add3A = arith.constant 4 : i32
    %add3A_1 = arith.addi %mul3A_0, %add3A : i32
    %c0_i32 = arith.constant 0 : i32
    %c0_i32_2 = arith.constant 0 : i32
    %c0_i32_3 = arith.constant 0 : i32
    %c0_i32_4 = arith.constant 0 : i32
    return %c0_i32, %add3A_1, %c0_i32_2, %c0_i32_3 : i32, i32, i32, i32
  }
  func.func @transform_1(%arg0: i32) -> (i32, i32, i32) {
    %c0_i32 = arith.constant 0 : i32
    %c0_i32_0 = arith.constant 0 : i32
    %c0_i32_1 = arith.constant 0 : i32
    %c0_i32_2 = arith.constant 0 : i32
    return %c0_i32, %c0_i32_0, %c0_i32_1 : i32, i32, i32
  }
  func.func @transform_2(%arg0: i32) -> (i32, i32, i32) {
    %c0_i32 = arith.constant 0 : i32
    %c0_i32_0 = arith.constant 0 : i32
    %c0_i32_1 = arith.constant 0 : i32
    %c0_i32_2 = arith.constant 0 : i32
    return %c0_i32, %c0_i32_0, %c0_i32_1 : i32, i32, i32
  }
  func.func @transform_3(%arg0: i32) -> (i32, i32) {
    %c0_i32 = arith.constant 0 : i32
    %c0_i32_0 = arith.constant 0 : i32
    %c0_i32_1 = arith.constant 0 : i32
    return %c0_i32, %c0_i32_0 : i32, i32
  }
  func.func @transform_4(%arg0: i32) -> (i32, i32) {
    %c0_i32 = arith.constant 0 : i32
    %c0_i32_0 = arith.constant 0 : i32
    %c0_i32_1 = arith.constant 0 : i32
    return %c0_i32, %c0_i32_0 : i32, i32
  }
  func.func @transform_5(%arg0: i32) -> (i32, i32) {
    %c0_i32 = arith.constant 0 : i32
    %c0_i32_0 = arith.constant 0 : i32
    %c0_i32_1 = arith.constant 0 : i32
    return %c0_i32, %c0_i32_0 : i32, i32
  }
  func.func @transform_6(%arg0: i32) -> (i32, i32, i32) {
    %c0_i32 = arith.constant 0 : i32
    %c0_i32_0 = arith.constant 0 : i32
    %c0_i32_1 = arith.constant 0 : i32
    %c0_i32_2 = arith.constant 0 : i32
    return %c0_i32, %c0_i32_0, %c0_i32_1 : i32, i32, i32
  }
  func.func @transform_7(%arg0: i32) -> (i32, i32, i32) {
    %c0_i32 = arith.constant 0 : i32
    %c0_i32_0 = arith.constant 0 : i32
    %c0_i32_1 = arith.constant 0 : i32
    %c0_i32_2 = arith.constant 0 : i32
    return %c0_i32, %c0_i32_0, %c0_i32_1 : i32, i32, i32
  }
  func.func @transform_8(%arg0: i32) -> (i32, i32) {
    %c0_i32 = arith.constant 0 : i32
    %c0_i32_0 = arith.constant 0 : i32
    %c0_i32_1 = arith.constant 0 : i32
    return %c0_i32, %c0_i32_0 : i32, i32
  }
}

</mosaic_0001>

<sc_bundles>
// kernel: kernel.5.cloned.1.call-start
scs
__scs_entry_jumppad:
0x0: {  	(pc) =	sbr.rel $0x88, $3  }
0x1: {  	(tag) =	ssettag $0x0;
	lr =	simm.s32 $0x1  }
0x2: {  	[smem:$0x3F9F] =	sst lr;
	_ =	strace $0xD0000000  }
0x3: {  	_ = 	snop  }
0x4: {  	_ = 	snop  }
0x5: {  	_ = 	snop  }
0x6: {  	_ = 	snop  }
0x7: {  	_ = 	snop  }
__scs_overlays_trampoline_lowered:
0x8: {  	[smem:$0x3FAE] =	sst s0  }
0x9: {  	[smem:$0x3FAF] =	sst s1  }
0xa: {  	[smem:$0x3FB0] =	sst s2  }
0xb: {  	[smem:$0x3FB1] =	sst s3  }
0xc: {  	[smem:$0x3FB2] =	sst s4  }
0xd: {  	[smem:$0x3FB3] =	sst s5  }
0xe: {  	[smem:$0x3FB4] =	sst s6  }
0xf: {  	[smem:$0x3FB5] =	sst s7  }
0x10: {  	[smem:$0x3FB6] =	sst s8  }
0x11: {  	[smem:$0x3FB7] =	sst s9;
	s0 =	simm.s32 @!p0 $0x0  }
0x12: {  	s1 =	sld [smem:$0x3F9D];
	s0 =	simm.s32 @p0 $0x1  }
0x13: {  	[smem:$0x3FB8] =	sst s0;
	s0 =	simm.s32 @!p1 $0x0  }
0x14: {  	s2 =	sld [smem:$0x3F9C];
	s0 =	simm.s32 @p1 $0x1  }
0x15: {  	[smem:$0x3FB9] =	sst s0;
	s0 =	simm.s32 @!p2 $0x0  }
0x16: {  	s3 =	sld [smem:$0x3FDB];
	s0 =	simm.s32 @p2 $0x1  }
0x17: {  	s4 =	simm.s32 $0x1BF5;
	[smem:$0x3FBB] =	sst s0  }
0x18: {  	s0 =	sld [smem:$0x3F9E];
	_ =	swait.ge [sflag:s4], $0x0  }
0x19: {  	s7 =	sld [smem:$0x3F9F]  }
0x1a: {  	s8 =	sadd.s32 $0xFFFFE003, lr  }
0x1b: {  	s9 =	sadd.s32 $0xFFFFFEF7, lr;
	s5 =	simm.s32 $0xFFFFFFFF;
	p2 =	slt.u32 s8, $0xFFFFF086  }
0x1c: {  	p1 =	slt.u32 s9, $0xF7A;
	s5 =	simm.s32 @!p2 $0x0  }
0x1d: {  	s5 =	simm.s32 @p1 $0x1;
	p0 =	seq.s32 s7, s2  }
0x1e: {  	s7 =	smul.u32 @!p0 $0xF7A, s2;
	p2 =	seq.s32 @!p0 s5, $0x0  }
0x1f: {  	s9 =	smul.u32 $0xF7A, s1;
	s8 =	simm.s32 @!p0 $0x1BF5;
	p2 =	por !p2, p0  }
0x20: {  	[sflag:s8] =	ssyncset.s32 @!p0 $0xFFFFF086;
	s6 =	sadd.s32 @!p0 s3, s7;
	s7 =	simm.s32 @!p0 $0x108  }
0x21: {  	s3 =	sadd.s32 s3, s9;
	s6 =	sadd.s32 @!p0 $0x88, s6;
	s7 =	simm.s32 @p2 $0x1082  }
0x22: {  	[simem:s7], [sflag:s8] =	dma.local @!p0 [hbm:s6], $0xF7A  }
0x23: {  	s9 =	sor.u32 $0xD0000000, s2;
	s6 =	simm.s32 $0x108;
	_ =	swait.ge @!p0 [sflag:s8], $0x0  }
0x24: {  	s3 =	sadd.s32 $0x88, s3;
	s6 =	simm.s32 @!p1 $0x1082;
	[sflag:s4] =	ssyncset.s32 $0xFFFFF086  }
0x25: {  	[simem:s6], [sflag:s4] =	dma.local [hbm:s3], $0xF7A  }
0x26: {  	[smem:$0x3F9F] =	sst s1;
	(tag) =	ssettag s2;
	_ =	strace s9  }
0x27: {  	s1 =	sld [smem:$0x3FAF]  }
0x28: {  	s2 =	sld [smem:$0x3FB0]  }
0x29: {  	s4 =	sld [smem:$0x3FB2]  }
0x2a: {  	p0 =	seq.s32 s5, $0x0;
	s5 =	sld [smem:$0x3FB3]  }
0x2b: {  	s6 =	sld [smem:$0x3FB4]  }
0x2c: {  	s7 =	sld [smem:$0x3FB5]  }
0x2d: {  	s3 =	simm.s32 $0x108;
	s8 =	sld [smem:$0x3FB6]  }
0x2e: {  	s3 =	simm.s32 @!p0 $0x1082;
	s9 =	sld [smem:$0x3FB7]  }
0x2f: {  	lr =	sadd.s32 s0, s3;
	s0 =	sld [smem:$0x3FAE]  }
0x30: {  	s3 =	sld [smem:$0x3FB1]  }
0x31: {  	[smem:$0x3FBA] =	sst s10  }
0x32: {  	s10 =	sld [smem:$0x3FB8];
	_ =	sdelay $0x3  }
0x33: {  	p0 =	seq.s32 s10, $0x1;
	s10 =	sld [smem:$0x3FBA];
	_ =	sdelay $0x3  }
0x34: {  	[smem:$0x3FBA] =	sst s10  }
0x35: {  	s10 =	sld [smem:$0x3FB9];
	_ =	sdelay $0x3  }
0x36: {  	p1 =	seq.s32 s10, $0x1;
	s10 =	sld [smem:$0x3FBA];
	_ =	sdelay $0x3  }
0x37: {  	[smem:$0x3FBA] =	sst s10  }
0x38: {  	s10 =	sld [smem:$0x3FBB]  }
0x39: {  	_ = 	snop;
	(pc) =	sbr.ind lr, $3  }
0x3a: {  	_ = 	snop  }
0x3b: {  	_ = 	snop  }
0x3c: {  	p2 =	seq.s32 s10, $0x1;
	s10 =	sld [smem:$0x3FBA]  }
0x3d: {  	_ =	shalt  }
0x3e: {  	_ =	shalt  }
0x3f: {  	_ =	shalt  }
0x40: {  	_ =	shalt  }
0x41: {  	_ =	shalt  }
0x42: {  	_ =	shalt  }
0x43: {  	_ =	shalt  }
0x44: {  	_ =	shalt  }
0x45: {  	_ =	shalt  }
0x46: {  	_ =	shalt  }
0x47: {  	_ =	shalt  }
0x48: {  	_ =	shalt  }
0x49: {  	_ =	shalt  }
0x4a: {  	_ =	shalt  }
0x4b: {  	_ =	shalt  }
0x4c: {  	_ =	shalt  }
0x4d: {  	_ =	shalt  }
0x4e: {  	_ =	shalt  }
0x4f: {  	_ =	shalt  }
0x50: {  	_ =	shalt  }
0x51: {  	_ =	shalt  }
0x52: {  	_ =	shalt  }
0x53: {  	_ =	shalt  }
0x54: {  	_ =	shalt  }
0x55: {  	_ =	shalt  }
0x56: {  	_ =	shalt  }
0x57: {  	_ =	shalt  }
0x58: {  	_ =	shalt  }
0x59: {  	_ =	shalt  }
0x5a: {  	_ =	shalt  }
0x5b: {  	_ =	shalt  }
0x5c: {  	_ =	shalt  }
0x5d: {  	_ =	shalt  }
0x5e: {  	_ =	shalt  }
0x5f: {  	_ =	shalt  }
0x60: {  	_ =	shalt  }
0x61: {  	_ =	shalt  }
0x62: {  	_ =	shalt  }
0x63: {  	_ =	shalt  }
0x64: {  	_ =	shalt  }
0x65: {  	_ =	shalt  }
0x66: {  	_ =	shalt  }
0x67: {  	_ =	shalt  }
0x68: {  	_ =	shalt  }
0x69: {  	_ =	shalt  }
0x6a: {  	_ =	shalt  }
0x6b: {  	_ =	shalt  }
0x6c: {  	_ =	shalt  }
0x6d: {  	_ =	shalt  }
0x6e: {  	_ =	shalt  }
0x6f: {  	_ =	shalt  }
0x70: {  	_ =	shalt  }
0x71: {  	_ =	shalt  }
0x72: {  	_ =	shalt  }
0x73: {  	_ =	shalt  }
0x74: {  	_ =	shalt  }
0x75: {  	_ =	shalt  }
0x76: {  	_ =	shalt  }
0x77: {  	_ =	shalt  }
0x78: {  	_ =	shalt  }
0x79: {  	_ =	shalt  }
0x7a: {  	_ =	shalt  }
0x7b: {  	_ =	shalt  }
0x7c: {  	_ =	shalt  }
0x7d: {  	_ =	shalt  }
0x7e: {  	_ =	shalt  }
0x7f: {  	_ =	shalt  }
0x80: {  	_ =	shalt  }
0x81: {  	_ =	shalt  }
0x82: {  	_ =	shalt  }
0x83: {  	_ =	shalt  }
0x84: {  	_ =	shalt  }
0x85: {  	_ =	shalt  }
0x86: {  	_ =	shalt  }
0x87: {  	_ =	shalt  }
.Lfunc_end0:
.L_simem_size_0:
called_computation_lowered:
.L_overlay_start_0:
0x88: {  	s2 =	sld [smem:$0x3FD9]  }
0x89: {  	s3 =	sld [smem:$0x3FFE];
	_ =	sdelay $0x1  }
0x8a: {  	s1 =	srdreg.scid  }
0x8b: {  	s0 =	sand.u32 $0x1, s1  }
0x8c: {  	s16 =	sshll.u32 s0, $0xA;
	s2 =	sadd.s32 s3, s2  }
0x8d: {  	s2 =	sadd.s32 s2, s16  }
0x8e: {  	[smem:$0x3FC6] =	sst s2  }
0x8f: {  	_ = 	snop  }
0x90: {  	(tm) =	ssettm $0x1  }
0x91: {  	s17 =	sld [smem:$0x3FFB];
	_ =	sdelay $0x3  }
0x92: {  	_ =	strace s17  }
0x93: {  	s2 =	sld [smem:$0x3FFC];
	_ =	sdelay $0x3  }
0x94: {  	_ =	strace s2  }
0x95: {  	s2 =	sld [smem:$0x3FFD];
	_ =	sdelay $0x3  }
0x96: {  	_ =	strace s2  }
0x97: {  	_ =	strace $0x8FFFFFFF  }
0x98: {  	s18 =	sld [smem:$0x3FDB];
	_ =	sdelay $0x1  }
0x99: {  	s19 =	simm.s32 $_scs_section_size  }
0x9a: {  	s4 =	simm.s32 $_size__tile_overlayer_lowered;
	s5 =	simm.s32 $_tile_overlayer_lowered  }
0x9b: {  	s22 =	simm.s32 $0x1BFF;
	s21 =	sshll.u32 s5, $0x1;
	s2 =	sadd.s32 s19, s18  }
0x9c: {  	s6 =	simm.s32 $0x0;
	s20 =	sshll.u32 s4, $0x1;
	s4 =	sadd.s32 s21, s2  }
0x9d: {  	[timem:s6], [sflag:s22] =	dma.local [hbm:s4], s20  }
0x9e: {  	_ =	swait.ge [sflag:s22], s20  }
0x9f: {  	s3 =	ssub.s32 $0x0, s20;
	[sflag:s22] =	ssyncset.done $0x0  }
0xa0: {  	[sflag:s22] =	ssyncadd.s32 s3;
	_ =	sdelay $0x1  }
0xa1: {  	s23 =	simm.s32 $0x1B8B  }
0xa2: {  	_ =	swait.ge [sflag:s23], $0x1  }
0xa3: {  	[sflag:s23] =	ssyncset.done $0x0  }
0xa4: {  	s25 =	simm.s32 $0x1B8E;
	s24 =	sld [smem:$0x3FFE];
	[sflag:s23] =	ssyncadd.s32 $0xFFFFFFFF  }
0xa5: {  	s26 =	simm.s32 $execute0_lowered;
	[smem:$0x3FD2] =	sst s25  }
0xa6: {  	s4 =	sshll.u32 s26, $0x1;
	_ =	strace $0x80000046;
	[dreg:$0x1] =	wrdreg $0xFFFFFFFF  }
0xa7: {  	s28 =	simm.s32 $_size_execute0_lowered;
	s2 =	sadd.s32 s2, s4;
	[dreg:$0x0] =	wrdreg $0x0  }
0xa8: {  	s4 =	sshll.u32 s28, $0x1;
	[dreg:$0x2] =	wrdreg s2  }
0xa9: {  	[dreg:$0x3] =	wrdreg s4  }
0xaa: {  	[dreg:$0x4] =	wrdreg $0xC0  }
0xab: {  	_ =	task [dreg:s6], $0x5FFFF  }
0xac: {  	[dreg:$0x1] =	wrdreg $0xFFFFFFFF  }
0xad: {  	[dreg:$0x0] =	wrdreg $0x60  }
0xae: {  	[dreg:$0x2] =	wrdreg s24  }
0xaf: {  	[dreg:$0x3] =	wrdreg $0x9  }
0xb0: {  	_ =	task.clear_ibuf [dreg:s6], $0x4FFFF;
	_ =	strace $0x90000046  }
0xb1: {  	s29 =	simm.s32 $0x9;
	_ =	strace $0x80000048  }
0xb2: {  	_ =	swait.ge [sflag:s29], $0x1  }
0xb3: {  	[sflag:s29] =	ssyncadd.s32 $0xFFFFFFFF  }
0xb4: {  	_ =	strace $0x90000048  }
0xb5: {  	_ =	sfence  }
0xb6: {  	s30 =	sld [smem:$0x0];
	_ =	sdelay $0x2  }
0xb7: {  	s31 =	sshll.u32 s1, $0xD;
	s1 =	sshrl.u32 s1, $0x2  }
0xb8: {  	s3 =	sand.u32 $0x4000, s31;
	s1 =	sadd.s32 s1, s30  }
0xb9: {  	s0 =	sor.u32 s3, s0;
	s1 =	sshll.u32 s1, $0x11  }
0xba: {  	s0 =	sor.u32 s1, s0  }
0xbb: {  	s0 =	sadd.s32 $0x8F2B, s0  }
0xbc: {  	[sflag:s0] =	ssyncadd.remote.s32 $0x1  }
0xbd: {  	_ =	sfence.sel $0xFFFF  }
0xbe: {  	[dreg:$0x0] =	wrdreg $0xFFFFFFFF;
	(pc) =	sbr.abs _section_cstart, $3  }
0xbf: {  	[dreg:$0x1] =	wrdreg $0xFFFFFFFF  }
0xc0: {  	_ =	task.clear_ibuf [dreg:s6], $0x2FFFF;
	_ =	strace $0x9FFFFFFF  }
0xc1: {  	(tm) =	ssettm $0x7FFFFFFF  }
tec
execute0_lowered:
.L_overlay_start_1:
0x0: {  	(tag) =	ssettag $0x1  }
0x1: {  	s1 =	srdreg.scid;
	s0 =	stileid.u32  }
0x2: {  	s12 =	sand.u32 $0x1, s1;
	s31 =	sshll.u32 s0, $0x1  }
0x3: {  	s9 =	sor.u32 s12, s31  }
0x4: {  	s10 =	rddreg [dreg:$0x0];
	s3 =	smul.u32 $0x1FE, s9  }
0x5: {  	s2 =	simm.s32 $0x0;
	s1 =	rddreg [dreg:$0x1]  }
0x6: {  	[smem:$0x7FF] =	sst s2;
	s11 =	sadd.s32 s3, s10  }
0x7: {  	_ =	strace $0x80000047;
	s3 =	simm.s32 $0x2;
	s4 =	sadd.s32 $0x2E00, s11  }
0x8: {  	[tilespmem:s2], [sflag:$0x2] =	stream.linear.gather [hbm4b:s4+s2], $0xFF0, $0x38;
	[tilespmem:$0x2200] =	vst v63  }
0x9: {  	_ =	swait.ge [sflag:s3], $0xFF0  }
0xa: {  	s6 =	simm.s32 $0xFF0;
	s7 =	simm.s32 $0x1000;
	[sflag:s3] =	ssyncset.done $0x0  }
0xb: {  	s8 =	simm.s32 $0x1;
	s5 =	sadd.s32 $0x1A97200, s10;
	[sflag:s3] =	ssyncadd.s32 $0xFFFFF010  }
0xc: {  	[tilespmem:s7], [sflag:$0x1] =	stream.indirect.gather [hbm4b:s5+s6], $0x1, s2, s6, $0xb8;
	[tilespmem:$0x2200] =	vst v63  }
0xd: {  	_ =	swait.ge [sflag:s8], $0xFF0  }
0xe: {  	[sflag:s8] =	ssyncset.done $0x0  }
0xf: {  	s13 =	smul.u32 $0x1E, s9;
	s9 =	sadd.s32 $0x7200, s11;
	[sflag:s8] =	ssyncadd.s32 $0xFFFFF010  }
0x10: {  	[hbm4b:s9+s2] =	stream.linear.scatter [tilespmem:s7], [sflag:$0x2], $0xFF0, $0x38;
	[tilespmem:$0x2200] =	vst v63  }
0x11: {  	_ =	swait.ge [sflag:s3], $0xFF0  }
0x12: {  	s15 =	ssub.s32 $0x2, s12;
	s14 =	sadd.s32 s13, s10;
	[sflag:s3] =	ssyncset.done $0x0  }
0x13: {  	s10 =	sadd.s32 $0x6E00, s14;
	s11 =	simm.s32 $0x2000;
	[sflag:s3] =	ssyncadd.s32 $0xFFFFF010  }
0x14: {  	[tilespmem:s11], [sflag:$0x2] =	stream.linear.gather [hbm4b:s10+s2], $0xF0, $0x38;
	[tilespmem:$0x2200] =	vst v63  }
0x15: {  	s16 =	sshrl.u32 s15, $0x1;
	_ =	swait.ge [sflag:s3], $0xF0  }
0x16: {  	s12 =	simm.s32 $0xF0;
	s15 =	ssub.s32 s15, s16;
	[sflag:s3] =	ssyncset.done $0x0  }
0x17: {  	s13 =	simm.s32 $0x2100;
	s15 =	smax.u32 s15, $0x1;
	[sflag:s3] =	ssyncadd.s32 $0xFFFFFF10  }
0x18: {  	[tilespmem:s13], [sflag:$0x1] =	stream.indirect.gather [hbm4b:s5+s12], $0x1, s11, s12, $0xb8;
	[tilespmem:$0x2200] =	vst v63  }
0x19: {  	p0 =	sne.s32 s15, $0x1;
	_ =	swait.ge [sflag:s8], $0xF0  }
.Ltmp0:
0x1a: {  	[sflag:s8] =	ssyncset.done $0x0;
	(pc) =	sbr.rel @!p0 .LBB2_2-.Ltmp0, $4  }
0x1b: {  	s14 =	sadd.s32 $0xB200, s14;
	[sflag:s8] =	ssyncadd.s32 $0xFFFFFF10  }
0x1c: {  	[hbm4b:s14+s2] =	stream.linear.scatter [tilespmem:s13], [sflag:$0x2], $0xF0, $0x38;
	[tilespmem:$0x2200] =	vst v63  }
0x1d: {  	_ =	swait.ge [sflag:s3], $0xF0  }
0x1e: {  	s15 =	sadd.s32 $0xFFFFFFFF, s15;
	[sflag:s3] =	ssyncset.done $0x0  }
.LBB2_1:
0x1f: {  	p0 =	sne.s32 s15, $0x1;
	s15 =	sadd.s32 $0xFFFFFFFF, s15;
	[sflag:s3] =	ssyncadd.s32 $0xFFFFFF10  }
0x20: {  	[tilespmem:s2], [sflag:$0x2] =	stream.linear.gather [hbm4b:s4+s2], $0xFF0, $0x38;
	[tilespmem:$0x2200] =	vst v63  }
0x21: {  	_ =	swait.ge [sflag:s3], $0xFF0  }
0x22: {  	[sflag:s3] =	ssyncset.done $0x0  }
0x23: {  	[sflag:s3] =	ssyncadd.s32 $0xFFFFF010  }
0x24: {  	[tilespmem:s7], [sflag:$0x1] =	stream.indirect.gather [hbm4b:s5+s6], $0x1, s2, s6, $0xb8;
	[tilespmem:$0x2200] =	vst v63  }
0x25: {  	_ =	swait.ge [sflag:s8], $0xFF0  }
0x26: {  	[sflag:s8] =	ssyncset.done $0x0  }
0x27: {  	[sflag:s8] =	ssyncadd.s32 $0xFFFFF010  }
0x28: {  	[hbm4b:s9+s2] =	stream.linear.scatter [tilespmem:s7], [sflag:$0x2], $0xFF0, $0x38;
	[tilespmem:$0x2200] =	vst v63  }
0x29: {  	_ =	swait.ge [sflag:s3], $0xFF0  }
0x2a: {  	[sflag:s3] =	ssyncset.done $0x0  }
0x2b: {  	[sflag:s3] =	ssyncadd.s32 $0xFFFFF010  }
0x2c: {  	[tilespmem:s11], [sflag:$0x2] =	stream.linear.gather [hbm4b:s10+s2], $0xF0, $0x38;
	[tilespmem:$0x2200] =	vst v63  }
0x2d: {  	_ =	swait.ge [sflag:s3], $0xF0  }
0x2e: {  	[sflag:s3] =	ssyncset.done $0x0  }
0x2f: {  	[sflag:s3] =	ssyncadd.s32 $0xFFFFFF10  }
0x30: {  	[tilespmem:s13], [sflag:$0x1] =	stream.indirect.gather [hbm4b:s5+s12], $0x1, s11, s12, $0xb8;
	[tilespmem:$0x2200] =	vst v63  }
0x31: {  	_ =	swait.ge [sflag:s8], $0xF0  }
.Ltmp1:
0x32: {  	[sflag:s8] =	ssyncset.done $0x0;
	(pc) =	sbr.rel @p0 .LBB2_1-.Ltmp1, $4  }
0x33: {  	[sflag:s8] =	ssyncadd.s32 $0xFFFFFF10  }
0x34: {  	[hbm4b:s14+s2] =	stream.linear.scatter [tilespmem:s13], [sflag:$0x2], $0xF0, $0x38;
	[tilespmem:$0x2200] =	vst v63  }
0x35: {  	_ =	swait.ge [sflag:s3], $0xF0  }
0x36: {  	[sflag:s3] =	ssyncset.done $0x0  }
.LBB2_2:
0x37: {  	[sflag:s3] =	ssyncadd.s32 $0xFFFFFF10  }
0x38: {  	_ =	sfence.sel $0x180000  }
0x39: {  	[bflag:$0x0] =	sbarrier.arrive $0xFFFF  }
0x3a: {  	p0 =	sne.s32 s0, $0x0;
	_ =	strace $0x90000047  }
0x3b: {  	s0 =	sadd.s32 @!p0 $0x100000, s1;
	[bflag:$0x2] =	sbarrier.arrive $0xFFFF  }
0x3c: {  	[sflag:s0] =	ssyncadd.tile.s32 @!p0 $0x1;
	_ =	shalt  }
.Lfunc_end2:
_tile_overlayer_lowered:
.L_overlay_start_2:
0x3d: {  	(tag) =	ssettag $0x2  }
0x3e: {  	s0 =	rddreg [dreg:$0x0];
	s2 =	stileid.u32  }
0x3f: {  	s1 =	rddreg [dreg:$0x1];
	p0 =	sne.s32 s2, $0x0  }
0x40: {  	s3 =	rddreg [dreg:$0x2];
	[bflag:$0x3] =	sbarrier.arrive $0xFFFF;
	s2 =	simm.s32 @!p0 $0x1C02  }
0x41: {  	[timem:s3], [sflag:s2] =	dma.local @!p0 [hbm:s0], s1  }
0x42: {  	s0 =	simm.s32 @!p0 $0x2  }
0x43: {  	_ =	swait.ge @!p0 [sflag:s0], s1  }
0x44: {  	s1 =	ssub.s32 @!p0 $0x0, s1;
	[sflag:s0] =	ssyncset.done @!p0 $0x0  }
0x45: {  	[sflag:s0] =	ssyncadd.s32 @!p0 s1  }
0x46: {  	[bflag:$0x3] =	sbarrier.arrive $0xFFFF  }
0x47: {  	_ =	shalt  }

</sc_bundles>
